<compile_context>
chip_gen: v7x
topology: tpu7x:2x2x1
jax: 0.10.2.dev20260603
libtpu: 0.0.44.dev20260713+nightly
codegen_flags: <defaults>
</compile_context>

<pallas_src>
import functools

import jax
import jax.numpy as jnp
from jax import lax
from jax.experimental import pallas as pl
from jax.experimental.pallas import tpu as pltpu
from jax.experimental.pallas import tpu_sc as plsc

H = 64
T = 8
DEG = 16
EDGE_IN = 16
DT = 16
NODE_IN = 128


def _make_sc_gather(v, d, b, goff, dtype):
    info = plsc.get_sparse_core_info()
    nw = info.num_cores * info.num_subcores
    b_per_w = b // nw
    chunk = 1000
    n_chunks = b_per_w // chunk
    mesh = plsc.VectorSubcoreMesh(core_axis_name="c", subcore_axis_name="s")

    @functools.partial(
        pl.kernel,
        mesh=mesh,
        out_type=jax.ShapeDtypeStruct((b, d), dtype),
        scratch_types=[
            pltpu.VMEM((chunk,), jnp.int32),
            pltpu.VMEM((chunk, d), dtype),
            pltpu.SemaphoreType.DMA,
        ],
    )
    def k(table_hbm, idx_hbm, out_hbm, idx_v, rows_v, sem):
        wid = lax.axis_index("s") * info.num_cores + lax.axis_index("c")
        base = wid * b_per_w
        for j in range(n_chunks):
            off = base + j * chunk
            pltpu.sync_copy(idx_hbm.at[pl.ds(goff + off, chunk)], idx_v)
            pltpu.async_copy(table_hbm.at[idx_v], rows_v, sem).wait()
            pltpu.sync_copy(rows_v, out_hbm.at[pl.ds(off, chunk)])

    return k


_SIN_C = (0.99999970687168793, -0.16666577176372649, 0.0083325578491661046,
          -0.00019812568136934328, 2.7040424852228795e-06, -2.0533874739436797e-08)
_TWO_PI = 6.283185307179586
_INV_TWO_PI = 0.15915494309189535


def _fast_sin(x):
    r = x - jnp.round(x * _INV_TWO_PI) * _TWO_PI
    r2 = r * r
    p = _SIN_C[5]
    for cc in (_SIN_C[4], _SIN_C[3], _SIN_C[2], _SIN_C[1], _SIN_C[0]):
        p = p * r2 + cc
    return r * p


def _main_body(ef_ref, tm_ref, ga_ref, nf_ref,
               wall_ref, b_ref, wexp_ref, bexp_ref,
               p_ref, gf_ref, gt_ref,
               wat_ref, weon_ref, weo_ref, beo_ref, wnon_ref, wno_ref, bno_ref, out_ref):
    ef = ef_ref[...]
    tt = tm_ref[...][:, 0:T]
    mk = tm_ref[...][:, T:2 * T]
    be = ef.shape[0]

    tv_lin = jnp.dot(tt, wexp_ref[...], preferred_element_type=jnp.float32) + bexp_ref[...]
    lane = lax.broadcasted_iota(jnp.int32, (1, T * DT), 1)
    tv = jnp.where((lane % DT) < (DT - 1), _fast_sin(tv_lin), tv_lin)
    tv = tv.astype(jnp.bfloat16)

    wall = wall_ref[...]
    bias = b_ref[...]
    h = jnp.zeros((be, 2 * H), jnp.bfloat16)
    c = jnp.zeros((be, 2 * H), jnp.bfloat16)
    h_last = jnp.zeros((be, 2 * H), jnp.bfloat16)
    for t in range(T):
        xh = jnp.concatenate(
            [ef[:, EDGE_IN * t:EDGE_IN * (t + 1)], tv[:, DT * t:DT * (t + 1)], h], axis=1)
        g = jnp.dot(xh, wall, preferred_element_type=jnp.float32)
        th = jnp.tanh(g.astype(jnp.bfloat16) + bias)
        t_i = th[:, 0:128]
        t_f = th[:, 128:256]
        t_g = th[:, 256:384]
        t_o = th[:, 384:512]
        c = 0.5 * (c * (t_f + 1.0) + t_g * (t_i + 1.0))
        h = (t_o + 1.0) * jnp.tanh(c)
        h_last = jnp.where(mk[:, t:t + 1] > 0, h, h_last)

    e_out = h_last[:, 0:H]
    a_h = h_last[:, H:2 * H]
    a = jnp.dot(a_h, wat_ref[...], preferred_element_type=jnp.float32)
    a = jnp.where(a >= 0, a, 0.01 * a)
    m = jnp.maximum(
        jnp.dot(ga_ref[...], weon_ref[...], preferred_element_type=jnp.float32)
        + jnp.dot(e_out, weo_ref[...], preferred_element_type=jnp.float32)
        + beo_ref[...], 0.0)

    p_oh = p_ref[...]
    g_oh = gf_ref[...]
    gt_oh = gt_ref[...]

    z = jnp.dot(g_oh, a * p_oh, preferred_element_type=jnp.float32)
    z = z - jnp.max(z, axis=1, keepdims=True)
    cmp = (z[:, None, :] >= z[:, :, None]).astype(jnp.float32)
    r = jnp.sum(cmp, axis=2)
    s = jnp.sum(cmp * z[:, None, :], axis=2)
    valid = (1.0 + r * z) > s
    tauc = jnp.where(valid, (s - 1.0) / r, -1e30)
    tau = jnp.max(tauc, axis=1, keepdims=True)
    alpha = jnp.maximum(z - tau, 0.0)

    aedge = jnp.sum(jnp.dot(gt_oh, alpha, preferred_element_type=jnp.float32) * p_oh,
                    axis=1, keepdims=True)
    h_neigh = jnp.dot(g_oh, aedge * m, preferred_element_type=jnp.float32)
    out_ref[...] = jnp.maximum(
        jnp.dot(nf_ref[...], wnon_ref[...], preferred_element_type=jnp.float32)
        + jnp.dot(h_neigh, wno_ref[...], preferred_element_type=jnp.float32)
        + bno_ref[...], 0.0)


def _main_call(ef2, tm, ga, nf, wall, bias, wexp, bexp, p_oh, g_oh, gt_oh,
               wat, weon, weo, beo, wnon, wno, bno, bn, boff):
    be = DEG * bn

    def full(shape):
        return pl.BlockSpec(shape, lambda i: tuple(0 for _ in shape))

    nblk = ga.shape[0] // be
    b0 = boff
    return pl.pallas_call(
        _main_body,
        grid=(nblk,),
        in_specs=[
            pl.BlockSpec((be, T * EDGE_IN), lambda i: (i + b0, 0)),
            pl.BlockSpec((be, 2 * T), lambda i: (i + b0, 0)),
            pl.BlockSpec((be, NODE_IN), lambda i: (i, 0)),
            pl.BlockSpec((bn, NODE_IN), lambda i: (i + b0, 0)),
            full((2 * EDGE_IN + 2 * H, 8 * H)),
            full((1, 8 * H)),
            full((T, T * DT)),
            full((1, T * DT)),
            full((be, DEG)),
            full((bn, be)),
            full((be, bn)),
            full((H, 1)),
            full((NODE_IN, H)),
            full((H, H)),
            full((1, H)),
            full((NODE_IN, H)),
            full((H, H)),
            full((1, H)),
        ],
        out_specs=pl.BlockSpec((bn, H), lambda i: (i, 0)),
        out_shape=jax.ShapeDtypeStruct((nblk * bn, H), jnp.float32),
    )(ef2, tm, ga, nf, wall, bias, wexp, bexp, p_oh, g_oh, gt_oh,
      wat, weon, weo, beo, wnon, wno, bno)


def _interleave_gates(we, wa):
    blocks = []
    for k in range(4):
        blocks.append(we.T[:, H * k:H * (k + 1)])
        blocks.append(wa.T[:, H * k:H * (k + 1)])
    return jnp.concatenate(blocks, axis=1)


def kernel(node_features, edge_src, edge_features, edge_len, seq_times,
           t_w0, t_b0, t_w, t_b,
           e_wih, e_whh, e_bih, e_bhh,
           a_wih, a_whh, a_bih, a_bhh,
           w_attn, w_eout, b_eout, w_node, b_node):
    e = edge_features.shape[0]
    n = node_features.shape[0]

    ef2 = edge_features.reshape(e, T * EDGE_IN).astype(jnp.bfloat16)
    mask = (jnp.arange(T, dtype=jnp.int32)[None, :] < edge_len[:, None]).astype(jnp.float32)
    tm = jnp.concatenate([seq_times, mask], axis=1)

    bn = 200
    be = DEG * bn
    p_oh = (jnp.arange(be, dtype=jnp.int32)[:, None] % DEG
            == jnp.arange(DEG, dtype=jnp.int32)[None, :]).astype(jnp.float32)
    g_oh = (jnp.arange(be, dtype=jnp.int32)[None, :] // DEG
            == jnp.arange(bn, dtype=jnp.int32)[:, None]).astype(jnp.float32)
    gt_oh = g_oh.T

    wrow = jnp.concatenate([t_w[0], t_w0[0]])
    wexp = jnp.kron(jnp.eye(T, dtype=jnp.float32), wrow[None, :])
    bexp = jnp.tile(jnp.concatenate([t_b, t_b0]), T)[None, :]

    wih_cat = _interleave_gates(e_wih, a_wih)
    z64 = jnp.zeros((H, H), jnp.float32)
    top, bot = [], []
    for k in range(4):
        top += [e_whh.T[:, H * k:H * (k + 1)], z64]
        bot += [z64, a_whh.T[:, H * k:H * (k + 1)]]
    whh_bd = jnp.concatenate(
        [jnp.concatenate(top, axis=1), jnp.concatenate(bot, axis=1)], axis=0)
    be_, ba_ = e_bih + e_bhh, a_bih + a_bhh
    bias = jnp.concatenate(
        [jnp.concatenate([be_[H * k:H * (k + 1)], ba_[H * k:H * (k + 1)]]) for k in range(4)]
    )[None, :]

    colscale = jnp.where((jnp.arange(8 * H) >= 4 * H) & (jnp.arange(8 * H) < 6 * H),
                         1.0, 0.5).astype(jnp.float32)[None, :]
    wih_cat = wih_cat * colscale
    whh_bd = whh_bd * colscale * 0.5
    bias = (bias * colscale).astype(jnp.bfloat16)
    wall = jnp.concatenate([wih_cat, whh_bd], axis=0).astype(jnp.bfloat16)

    weon = w_eout[:, :NODE_IN].T
    weo = (w_eout[:, NODE_IN:].T * 0.5).astype(jnp.bfloat16)
    wnon = w_node[:, :NODE_IN].T
    wno = w_node[:, NODE_IN:].T
    watt = (w_attn.T * 0.5).astype(jnp.bfloat16)

    gathered = _sc_gather(node_features, edge_src, e, 0)

    return _main_call(ef2, tm, gathered, node_features,
                      wall, bias, wexp, bexp, p_oh, g_oh, gt_oh,
                      watt, weon, weo, b_eout[None, :], wnon, wno, b_node[None, :],
                      bn=bn, boff=0)


def _sc_gather(table, idx, b, goff):
    return _make_sc_gather(table.shape[0], table.shape[1], b, goff, table.dtype)(table, idx)

# --- scband reference (transcript-rebuilt; emitter-appended) ---
"""Pipeline reference for scband-gtealstmt2-vlayer-1331439862434 (READ-ONLY COPY).

The authoritative reference and input builder live on the scoring server;
editing this copy changes nothing except your own understanding.
"""

import jax, jax.numpy as jnp
import numpy as np

N = 10000
DEG = 16
E = N * DEG
T = 8
NODE_IN = 128
H = 64
EDGE_IN = 16
DT = 16
LSTM_IN = EDGE_IN + DT


def time2vec(t, w0, b0, w, b):
    # t: [M, 1] -> [M, DT]; periodic part + linear part (Time2Vec / SineActivation)
    v1 = jnp.sin(t @ w + b)
    v2 = t @ w0 + b0
    return jnp.concatenate([v1, v2], axis=-1)


def lstm_last(x, lens, wih, whh, bih, bhh):
    # x: [E, T, in]; returns hidden state at last valid timestep per sequence: [E, H]
    xs = jnp.transpose(x, (1, 0, 2))
    Eb = x.shape[0]
    Hh = whh.shape[1]
    h0 = jnp.zeros((Eb, Hh), x.dtype)
    c0 = jnp.zeros((Eb, Hh), x.dtype)

    def step(carry, xt):
        h, c = carry
        g = xt @ wih.T + h @ whh.T + bih + bhh
        i, f, gg, o = jnp.split(g, 4, axis=-1)
        i = jax.nn.sigmoid(i)
        f = jax.nn.sigmoid(f)
        gg = jnp.tanh(gg)
        o = jax.nn.sigmoid(o)
        c = f * c + i * gg
        h = o * jnp.tanh(c)
        return (h, c), h

    _, hs = jax.lax.scan(step, (h0, c0), xs)
    hs = jnp.transpose(hs, (1, 0, 2))  # [E, T, H]
    idx = (lens - 1).astype(jnp.int32)
    return jnp.take_along_axis(hs, idx[:, None, None], axis=1)[:, 0, :]


def sparsemax(z):
    # z: [N, K], sparsemax over last dim
    z = z - jnp.max(z, axis=-1, keepdims=True)
    zs = -jnp.sort(-z, axis=-1)
    K = z.shape[-1]
    r = jnp.arange(1, K + 1, dtype=z.dtype)
    bound = 1.0 + r * zs
    cs = jnp.cumsum(zs, axis=-1)
    is_gt = (bound > cs).astype(z.dtype)
    k = jnp.max(is_gt * r, axis=-1, keepdims=True)
    taus = (jnp.sum(is_gt * zs, axis=-1, keepdims=True) - 1.0) / k
    return jnp.maximum(0.0, z - taus)


def setup_inputs(seed: int = 0) -> dict:
    key = jax.random.key(seed)
    ks = jax.random.split(key, 24)

    def p(k, shape, scale=0.1):
        return jax.random.normal(k, shape, dtype=jnp.float32) * scale

    inp = {}
    inp['node_features'] = jax.random.normal(ks[0], (N, NODE_IN), dtype=jnp.float32)
    # dst node of edge j is implicitly j // DEG (regular in-degree DEG graph)
    inp['edge_src'] = jax.random.randint(ks[1], (E,), 0, N, dtype=jnp.int32)
    inp['edge_features'] = jax.random.normal(ks[2], (E, T, EDGE_IN), dtype=jnp.float32)
    inp['edge_len'] = jax.random.randint(ks[3], (E,), 1, T + 1, dtype=jnp.int32)
    inp['seq_times'] = jax.random.uniform(ks[4], (E, T), dtype=jnp.float32) * 10.0
    # SineActivation (time2vec) params
    inp['t_w0'] = p(ks[5], (1, 1))
    inp['t_b0'] = p(ks[6], (1,))
    inp['t_w'] = p(ks[7], (1, DT - 1))
    inp['t_b'] = p(ks[8], (DT - 1,))
    # edge LSTM params (gate order i,f,g,o like torch)
    inp['e_wih'] = p(ks[9], (4 * H, LSTM_IN))
    inp['e_whh'] = p(ks[10], (4 * H, H))
    inp['e_bih'] = p(ks[11], (4 * H,))
    inp['e_bhh'] = p(ks[12], (4 * H,))
    # attention LSTM params
    inp['a_wih'] = p(ks[13], (4 * H, LSTM_IN))
    inp['a_whh'] = p(ks[14], (4 * H, H))
    inp['a_bih'] = p(ks[15], (4 * H,))
    inp['a_bhh'] = p(ks[16], (4 * H,))
    # linear layers
    inp['w_attn'] = p(ks[17], (1, H))
    inp['w_eout'] = p(ks[18], (H, NODE_IN + H))
    inp['b_eout'] = jnp.zeros((H,), jnp.float32)
    inp['w_node'] = p(ks[19], (H, NODE_IN + H))
    inp['b_node'] = jnp.zeros((H,), jnp.float32)
    return inp


def reference(node_features, edge_src, edge_features, edge_len, seq_times,
              t_w0, t_b0, t_w, t_b,
              e_wih, e_whh, e_bih, e_bhh,
              a_wih, a_whh, a_bih, a_bhh,
              w_attn, w_eout, b_eout, w_node, b_node):
    Eb = edge_features.shape[0]
    # message_func: gather src node feats per edge
    h_src = jnp.take(node_features, edge_src, axis=0)  # [E, NODE_IN]
    tv = time2vec(seq_times.reshape(-1, 1), t_w0, t_b0, t_w, t_b).reshape(Eb, T, DT)
    e = jnp.concatenate([edge_features, tv], axis=-1)  # [E, T, LSTM_IN]
    e_out = lstm_last(e, edge_len, e_wih, e_whh, e_bih, e_bhh)  # [E, H]
    a = lstm_last(e, edge_len, a_wih, a_whh, a_bih, a_bhh)  # [E, H]
    a = a @ w_attn.T  # [E, 1]
    a = jax.nn.leaky_relu(a, 0.01)
    m = jax.nn.relu(jnp.concatenate([h_src, e_out], axis=1) @ w_eout.T + b_eout)  # [E, H]
    # reduce_func: regular in-degree DEG -> mailbox is a reshape
    a = a.reshape(N, DEG)
    m = m.reshape(N, DEG, H)
    alpha = sparsemax(a)[..., None]
    h_neigh = jnp.sum(alpha * m, axis=1)  # [N, H]
    h = jax.nn.relu(jnp.concatenate([node_features, h_neigh], axis=1) @ w_node.T + b_node)
    return h


if False:  # reference __main__ guard neutralized (emitter)
    out = reference(**setup_inputs())
    print(out.shape, out.dtype)

if __name__ == "__main__":
    import jax
    _d = setup_inputs()
    print(jax.jit(kernel)(*tuple(_d.values())))

</pallas_src>

<mosaic_0001>
#map = affine_map<(d0, d1) -> (0, 0)>
#map1 = affine_map<(d0, d1) -> (0)>
module attributes {stable_mosaic.version = 14 : i64} {
  func.func @k(%arg0: i32, %arg1: i32, %arg2: memref<10000x128xf32, #tpu.memory_space<hbm>>, %arg3: memref<160000xi32, #tpu.memory_space<hbm>>, %arg4: memref<160000x128xf32, #tpu.memory_space<hbm>>, %arg5: memref<1000xi32, #tpu.memory_space<vmem>>, %arg6: memref<1000x128xf32, #tpu.memory_space<vmem>>, %arg7: memref<!tpu.dma_semaphore, #tpu.memory_space<semaphore_mem>>) attributes {dimension_semantics = [#tpu.dimension_semantics<core_parallel>, #tpu.dimension_semantics<subcore_parallel>], iteration_bounds = array<i64: 2, 16>, scalar_prefetch = 0 : i64, scratch_operands = 3 : i64, tpu.core_type = #tpu.core_type<sc_vector_subcore>, window_params = [{transform_indices = #map}, {transform_indices = #map1}, {transform_indices = #map}]} {
    %mul3A = arith.constant 2 : i32
    %mul3A_0 = arith.muli %arg1, %mul3A : i32
    %add3A = arith.addi %mul3A_0, %arg0 : i32
    %mul3A_1 = arith.constant 5000 : i32
    %mul3A_2 = arith.muli %add3A, %mul3A_1 : i32
    %add3A_3 = arith.constant 0 : i32
    %add3A_4 = arith.addi %mul3A_2, %add3A_3 : i32
    %add3A_5 = arith.constant 0 : i32
    %add3A_6 = arith.addi %add3A_5, %add3A_4 : i32
    "tpu.region"() ({
      %run_scoped3A = tpu.sem_alloc : memref<!tpu.dma_semaphore, #tpu.memory_space<semaphore_mem>>
      %dma_start3A_51 = tpu.memref_slice %arg3[%add3A_6] : memref<160000xi32, #tpu.memory_space<hbm>> -> memref<1000xi32, #tpu.memory_space<hbm>>
      %dma_start3A_52 = tpu.memref_slice %arg3[%add3A_6] : memref<160000xi32, #tpu.memory_space<hbm>> -> memref<1000xi32, #tpu.memory_space<hbm>>
      tpu.enqueue_dma source(%dma_start3A_52 : memref<1000xi32, #tpu.memory_space<hbm>>) target(%arg5 : memref<1000xi32, #tpu.memory_space<vmem>>) target_semaphore(%run_scoped3A : memref<!tpu.dma_semaphore, #tpu.memory_space<semaphore_mem>>)
      %dma_wait3A_53 = tpu.memref_slice %arg3[%add3A_6] : memref<160000xi32, #tpu.memory_space<hbm>> -> memref<1000xi32, #tpu.memory_space<hbm>>
      %dma_wait3A_54 = tpu.memref_slice %arg3[%add3A_6] : memref<160000xi32, #tpu.memory_space<hbm>> -> memref<1000xi32, #tpu.memory_space<hbm>>
      tpu.wait_dma2 semaphore(%run_scoped3A : memref<!tpu.dma_semaphore, #tpu.memory_space<semaphore_mem>>) src(%dma_wait3A_54 : memref<1000xi32, #tpu.memory_space<hbm>>) dst(%arg5 : memref<1000xi32, #tpu.memory_space<vmem>>)
      tpu.yield
    }) : () -> ()
    %dma_start3A = arith.constant 0 : i32
    %dma_start3A_7 = arith.constant 0 : i32
    %dma_start3A_8 = tpu.memref_slice %arg2[%dma_start3A, %dma_start3A_7] : memref<10000x128xf32, #tpu.memory_space<hbm>> -> memref<10000x128xf32, #tpu.memory_space<hbm>>
    tpu.enqueue_indirect_dma source(%dma_start3A_8 : memref<10000x128xf32, #tpu.memory_space<hbm>>) target(%arg6 : memref<1000x128xf32, #tpu.memory_space<vmem>>) offsets(%arg5 : memref<1000xi32, #tpu.memory_space<vmem>>) semaphore(%arg7 : memref<!tpu.dma_semaphore, #tpu.memory_space<semaphore_mem>>)
    %dma_wait3A = arith.constant 0 : i32
    %dma_wait3A_9 = arith.constant 0 : i32
    %dma_wait3A_10 = tpu.memref_slice %arg2[%dma_wait3A, %dma_wait3A_9] : memref<10000x128xf32, #tpu.memory_space<hbm>> -> memref<10000x128xf32, #tpu.memory_space<hbm>>
    tpu.wait_indirect_dma semaphore(%arg7 : memref<!tpu.dma_semaphore, #tpu.memory_space<semaphore_mem>>) src(%dma_wait3A_10 : memref<10000x128xf32, #tpu.memory_space<hbm>>) dst(%arg6 : memref<1000x128xf32, #tpu.memory_space<vmem>>)
    "tpu.region"() ({
      %run_scoped3A = tpu.sem_alloc : memref<!tpu.dma_semaphore, #tpu.memory_space<semaphore_mem>>
      %dma_start3A_51 = arith.constant 0 : i32
      %dma_start3A_52 = tpu.memref_slice %arg4[%add3A_4, %dma_start3A_51] : memref<160000x128xf32, #tpu.memory_space<hbm>> -> memref<1000x128xf32, #tpu.memory_space<hbm>>
      %dma_start3A_53 = arith.constant 0 : i32
      %dma_start3A_54 = tpu.memref_slice %arg4[%add3A_4, %dma_start3A_53] : memref<160000x128xf32, #tpu.memory_space<hbm>> -> memref<1000x128xf32, #tpu.memory_space<hbm>>
      tpu.enqueue_dma source(%arg6 : memref<1000x128xf32, #tpu.memory_space<vmem>>) target(%dma_start3A_54 : memref<1000x128xf32, #tpu.memory_space<hbm>>) target_semaphore(%run_scoped3A : memref<!tpu.dma_semaphore, #tpu.memory_space<semaphore_mem>>)
      %dma_wait3A_55 = arith.constant 0 : i32
      %dma_wait3A_56 = tpu.memref_slice %arg4[%add3A_4, %dma_wait3A_55] : memref<160000x128xf32, #tpu.memory_space<hbm>> -> memref<1000x128xf32, #tpu.memory_space<hbm>>
      %dma_wait3A_57 = arith.constant 0 : i32
      %dma_wait3A_58 = tpu.memref_slice %arg4[%add3A_4, %dma_wait3A_57] : memref<160000x128xf32, #tpu.memory_space<hbm>> -> memref<1000x128xf32, #tpu.memory_space<hbm>>
      tpu.wait_dma2 semaphore(%run_scoped3A : memref<!tpu.dma_semaphore, #tpu.memory_space<semaphore_mem>>) src(%arg6 : memref<1000x128xf32, #tpu.memory_space<vmem>>) dst(%dma_wait3A_58 : memref<1000x128xf32, #tpu.memory_space<hbm>>)
      tpu.yield
    }) : () -> ()
    %add3A_11 = arith.constant 1000 : i32
    %add3A_12 = arith.addi %mul3A_2, %add3A_11 : i32
    %add3A_13 = arith.constant 0 : i32
    %add3A_14 = arith.addi %add3A_13, %add3A_12 : i32
    "tpu.region"() ({
      %run_scoped3A = tpu.sem_alloc : memref<!tpu.dma_semaphore, #tpu.memory_space<semaphore_mem>>
      %dma_start3A_51 = tpu.memref_slice %arg3[%add3A_14] : memref<160000xi32, #tpu.memory_space<hbm>> -> memref<1000xi32, #tpu.memory_space<hbm>>
      %dma_start3A_52 = tpu.memref_slice %arg3[%add3A_14] : memref<160000xi32, #tpu.memory_space<hbm>> -> memref<1000xi32, #tpu.memory_space<hbm>>
      tpu.enqueue_dma source(%dma_start3A_52 : memref<1000xi32, #tpu.memory_space<hbm>>) target(%arg5 : memref<1000xi32, #tpu.memory_space<vmem>>) target_semaphore(%run_scoped3A : memref<!tpu.dma_semaphore, #tpu.memory_space<semaphore_mem>>)
      %dma_wait3A_53 = tpu.memref_slice %arg3[%add3A_14] : memref<160000xi32, #tpu.memory_space<hbm>> -> memref<1000xi32, #tpu.memory_space<hbm>>
      %dma_wait3A_54 = tpu.memref_slice %arg3[%add3A_14] : memref<160000xi32, #tpu.memory_space<hbm>> -> memref<1000xi32, #tpu.memory_space<hbm>>
      tpu.wait_dma2 semaphore(%run_scoped3A : memref<!tpu.dma_semaphore, #tpu.memory_space<semaphore_mem>>) src(%dma_wait3A_54 : memref<1000xi32, #tpu.memory_space<hbm>>) dst(%arg5 : memref<1000xi32, #tpu.memory_space<vmem>>)
      tpu.yield
    }) : () -> ()
    %dma_start3A_15 = arith.constant 0 : i32
    %dma_start3A_16 = arith.constant 0 : i32
    %dma_start3A_17 = tpu.memref_slice %arg2[%dma_start3A_15, %dma_start3A_16] : memref<10000x128xf32, #tpu.memory_space<hbm>> -> memref<10000x128xf32, #tpu.memory_space<hbm>>
    tpu.enqueue_indirect_dma source(%dma_start3A_17 : memref<10000x128xf32, #tpu.memory_space<hbm>>) target(%arg6 : memref<1000x128xf32, #tpu.memory_space<vmem>>) offsets(%arg5 : memref<1000xi32, #tpu.memory_space<vmem>>) semaphore(%arg7 : memref<!tpu.dma_semaphore, #tpu.memory_space<semaphore_mem>>)
    %dma_wait3A_18 = arith.constant 0 : i32
    %dma_wait3A_19 = arith.constant 0 : i32
    %dma_wait3A_20 = tpu.memref_slice %arg2[%dma_wait3A_18, %dma_wait3A_19] : memref<10000x128xf32, #tpu.memory_space<hbm>> -> memref<10000x128xf32, #tpu.memory_space<hbm>>
    tpu.wait_indirect_dma semaphore(%arg7 : memref<!tpu.dma_semaphore, #tpu.memory_space<semaphore_mem>>) src(%dma_wait3A_20 : memref<10000x128xf32, #tpu.memory_space<hbm>>) dst(%arg6 : memref<1000x128xf32, #tpu.memory_space<vmem>>)
    "tpu.region"() ({
      %run_scoped3A = tpu.sem_alloc : memref<!tpu.dma_semaphore, #tpu.memory_space<semaphore_mem>>
      %dma_start3A_51 = arith.constant 0 : i32
      %dma_start3A_52 = tpu.memref_slice %arg4[%add3A_12, %dma_start3A_51] : memref<160000x128xf32, #tpu.memory_space<hbm>> -> memref<1000x128xf32, #tpu.memory_space<hbm>>
      %dma_start3A_53 = arith.constant 0 : i32
      %dma_start3A_54 = tpu.memref_slice %arg4[%add3A_12, %dma_start3A_53] : memref<160000x128xf32, #tpu.memory_space<hbm>> -> memref<1000x128xf32, #tpu.memory_space<hbm>>
      tpu.enqueue_dma source(%arg6 : memref<1000x128xf32, #tpu.memory_space<vmem>>) target(%dma_start3A_54 : memref<1000x128xf32, #tpu.memory_space<hbm>>) target_semaphore(%run_scoped3A : memref<!tpu.dma_semaphore, #tpu.memory_space<semaphore_mem>>)
      %dma_wait3A_55 = arith.constant 0 : i32
      %dma_wait3A_56 = tpu.memref_slice %arg4[%add3A_12, %dma_wait3A_55] : memref<160000x128xf32, #tpu.memory_space<hbm>> -> memref<1000x128xf32, #tpu.memory_space<hbm>>
      %dma_wait3A_57 = arith.constant 0 : i32
      %dma_wait3A_58 = tpu.memref_slice %arg4[%add3A_12, %dma_wait3A_57] : memref<160000x128xf32, #tpu.memory_space<hbm>> -> memref<1000x128xf32, #tpu.memory_space<hbm>>
      tpu.wait_dma2 semaphore(%run_scoped3A : memref<!tpu.dma_semaphore, #tpu.memory_space<semaphore_mem>>) src(%arg6 : memref<1000x128xf32, #tpu.memory_space<vmem>>) dst(%dma_wait3A_58 : memref<1000x128xf32, #tpu.memory_space<hbm>>)
      tpu.yield
    }) : () -> ()
    %add3A_21 = arith.constant 2000 : i32
    %add3A_22 = arith.addi %mul3A_2, %add3A_21 : i32
    %add3A_23 = arith.constant 0 : i32
    %add3A_24 = arith.addi %add3A_23, %add3A_22 : i32
    "tpu.region"() ({
      %run_scoped3A = tpu.sem_alloc : memref<!tpu.dma_semaphore, #tpu.memory_space<semaphore_mem>>
      %dma_start3A_51 = tpu.memref_slice %arg3[%add3A_24] : memref<160000xi32, #tpu.memory_space<hbm>> -> memref<1000xi32, #tpu.memory_space<hbm>>
      %dma_start3A_52 = tpu.memref_slice %arg3[%add3A_24] : memref<160000xi32, #tpu.memory_space<hbm>> -> memref<1000xi32, #tpu.memory_space<hbm>>
      tpu.enqueue_dma source(%dma_start3A_52 : memref<1000xi32, #tpu.memory_space<hbm>>) target(%arg5 : memref<1000xi32, #tpu.memory_space<vmem>>) target_semaphore(%run_scoped3A : memref<!tpu.dma_semaphore, #tpu.memory_space<semaphore_mem>>)
      %dma_wait3A_53 = tpu.memref_slice %arg3[%add3A_24] : memref<160000xi32, #tpu.memory_space<hbm>> -> memref<1000xi32, #tpu.memory_space<hbm>>
      %dma_wait3A_54 = tpu.memref_slice %arg3[%add3A_24] : memref<160000xi32, #tpu.memory_space<hbm>> -> memref<1000xi32, #tpu.memory_space<hbm>>
      tpu.wait_dma2 semaphore(%run_scoped3A : memref<!tpu.dma_semaphore, #tpu.memory_space<semaphore_mem>>) src(%dma_wait3A_54 : memref<1000xi32, #tpu.memory_space<hbm>>) dst(%arg5 : memref<1000xi32, #tpu.memory_space<vmem>>)
      tpu.yield
    }) : () -> ()
    %dma_start3A_25 = arith.constant 0 : i32
    %dma_start3A_26 = arith.constant 0 : i32
    %dma_start3A_27 = tpu.memref_slice %arg2[%dma_start3A_25, %dma_start3A_26] : memref<10000x128xf32, #tpu.memory_space<hbm>> -> memref<10000x128xf32, #tpu.memory_space<hbm>>
    tpu.enqueue_indirect_dma source(%dma_start3A_27 : memref<10000x128xf32, #tpu.memory_space<hbm>>) target(%arg6 : memref<1000x128xf32, #tpu.memory_space<vmem>>) offsets(%arg5 : memref<1000xi32, #tpu.memory_space<vmem>>) semaphore(%arg7 : memref<!tpu.dma_semaphore, #tpu.memory_space<semaphore_mem>>)
    %dma_wait3A_28 = arith.constant 0 : i32
    %dma_wait3A_29 = arith.constant 0 : i32
    %dma_wait3A_30 = tpu.memref_slice %arg2[%dma_wait3A_28, %dma_wait3A_29] : memref<10000x128xf32, #tpu.memory_space<hbm>> -> memref<10000x128xf32, #tpu.memory_space<hbm>>
    tpu.wait_indirect_dma semaphore(%arg7 : memref<!tpu.dma_semaphore, #tpu.memory_space<semaphore_mem>>) src(%dma_wait3A_30 : memref<10000x128xf32, #tpu.memory_space<hbm>>) dst(%arg6 : memref<1000x128xf32, #tpu.memory_space<vmem>>)
    "tpu.region"() ({
      %run_scoped3A = tpu.sem_alloc : memref<!tpu.dma_semaphore, #tpu.memory_space<semaphore_mem>>
      %dma_start3A_51 = arith.constant 0 : i32
      %dma_start3A_52 = tpu.memref_slice %arg4[%add3A_22, %dma_start3A_51] : memref<160000x128xf32, #tpu.memory_space<hbm>> -> memref<1000x128xf32, #tpu.memory_space<hbm>>
      %dma_start3A_53 = arith.constant 0 : i32
      %dma_start3A_54 = tpu.memref_slice %arg4[%add3A_22, %dma_start3A_53] : memref<160000x128xf32, #tpu.memory_space<hbm>> -> memref<1000x128xf32, #tpu.memory_space<hbm>>
      tpu.enqueue_dma source(%arg6 : memref<1000x128xf32, #tpu.memory_space<vmem>>) target(%dma_start3A_54 : memref<1000x128xf32, #tpu.memory_space<hbm>>) target_semaphore(%run_scoped3A : memref<!tpu.dma_semaphore, #tpu.memory_space<semaphore_mem>>)
      %dma_wait3A_55 = arith.constant 0 : i32
      %dma_wait3A_56 = tpu.memref_slice %arg4[%add3A_22, %dma_wait3A_55] : memref<160000x128xf32, #tpu.memory_space<hbm>> -> memref<1000x128xf32, #tpu.memory_space<hbm>>
      %dma_wait3A_57 = arith.constant 0 : i32
      %dma_wait3A_58 = tpu.memref_slice %arg4[%add3A_22, %dma_wait3A_57] : memref<160000x128xf32, #tpu.memory_space<hbm>> -> memref<1000x128xf32, #tpu.memory_space<hbm>>
      tpu.wait_dma2 semaphore(%run_scoped3A : memref<!tpu.dma_semaphore, #tpu.memory_space<semaphore_mem>>) src(%arg6 : memref<1000x128xf32, #tpu.memory_space<vmem>>) dst(%dma_wait3A_58 : memref<1000x128xf32, #tpu.memory_space<hbm>>)
      tpu.yield
    }) : () -> ()
    %add3A_31 = arith.constant 3000 : i32
    %add3A_32 = arith.addi %mul3A_2, %add3A_31 : i32
    %add3A_33 = arith.constant 0 : i32
    %add3A_34 = arith.addi %add3A_33, %add3A_32 : i32
    "tpu.region"() ({
      %run_scoped3A = tpu.sem_alloc : memref<!tpu.dma_semaphore, #tpu.memory_space<semaphore_mem>>
      %dma_start3A_51 = tpu.memref_slice %arg3[%add3A_34] : memref<160000xi32, #tpu.memory_space<hbm>> -> memref<1000xi32, #tpu.memory_space<hbm>>
      %dma_start3A_52 = tpu.memref_slice %arg3[%add3A_34] : memref<160000xi32, #tpu.memory_space<hbm>> -> memref<1000xi32, #tpu.memory_space<hbm>>
      tpu.enqueue_dma source(%dma_start3A_52 : memref<1000xi32, #tpu.memory_space<hbm>>) target(%arg5 : memref<1000xi32, #tpu.memory_space<vmem>>) target_semaphore(%run_scoped3A : memref<!tpu.dma_semaphore, #tpu.memory_space<semaphore_mem>>)
      %dma_wait3A_53 = tpu.memref_slice %arg3[%add3A_34] : memref<160000xi32, #tpu.memory_space<hbm>> -> memref<1000xi32, #tpu.memory_space<hbm>>
      %dma_wait3A_54 = tpu.memref_slice %arg3[%add3A_34] : memref<160000xi32, #tpu.memory_space<hbm>> -> memref<1000xi32, #tpu.memory_space<hbm>>
      tpu.wait_dma2 semaphore(%run_scoped3A : memref<!tpu.dma_semaphore, #tpu.memory_space<semaphore_mem>>) src(%dma_wait3A_54 : memref<1000xi32, #tpu.memory_space<hbm>>) dst(%arg5 : memref<1000xi32, #tpu.memory_space<vmem>>)
      tpu.yield
    }) : () -> ()
    %dma_start3A_35 = arith.constant 0 : i32
    %dma_start3A_36 = arith.constant 0 : i32
    %dma_start3A_37 = tpu.memref_slice %arg2[%dma_start3A_35, %dma_start3A_36] : memref<10000x128xf32, #tpu.memory_space<hbm>> -> memref<10000x128xf32, #tpu.memory_space<hbm>>
    tpu.enqueue_indirect_dma source(%dma_start3A_37 : memref<10000x128xf32, #tpu.memory_space<hbm>>) target(%arg6 : memref<1000x128xf32, #tpu.memory_space<vmem>>) offsets(%arg5 : memref<1000xi32, #tpu.memory_space<vmem>>) semaphore(%arg7 : memref<!tpu.dma_semaphore, #tpu.memory_space<semaphore_mem>>)
    %dma_wait3A_38 = arith.constant 0 : i32
    %dma_wait3A_39 = arith.constant 0 : i32
    %dma_wait3A_40 = tpu.memref_slice %arg2[%dma_wait3A_38, %dma_wait3A_39] : memref<10000x128xf32, #tpu.memory_space<hbm>> -> memref<10000x128xf32, #tpu.memory_space<hbm>>
    tpu.wait_indirect_dma semaphore(%arg7 : memref<!tpu.dma_semaphore, #tpu.memory_space<semaphore_mem>>) src(%dma_wait3A_40 : memref<10000x128xf32, #tpu.memory_space<hbm>>) dst(%arg6 : memref<1000x128xf32, #tpu.memory_space<vmem>>)
    "tpu.region"() ({
      %run_scoped3A = tpu.sem_alloc : memref<!tpu.dma_semaphore, #tpu.memory_space<semaphore_mem>>
      %dma_start3A_51 = arith.constant 0 : i32
      %dma_start3A_52 = tpu.memref_slice %arg4[%add3A_32, %dma_start3A_51] : memref<160000x128xf32, #tpu.memory_space<hbm>> -> memref<1000x128xf32, #tpu.memory_space<hbm>>
      %dma_start3A_53 = arith.constant 0 : i32
      %dma_start3A_54 = tpu.memref_slice %arg4[%add3A_32, %dma_start3A_53] : memref<160000x128xf32, #tpu.memory_space<hbm>> -> memref<1000x128xf32, #tpu.memory_space<hbm>>
      tpu.enqueue_dma source(%arg6 : memref<1000x128xf32, #tpu.memory_space<vmem>>) target(%dma_start3A_54 : memref<1000x128xf32, #tpu.memory_space<hbm>>) target_semaphore(%run_scoped3A : memref<!tpu.dma_semaphore, #tpu.memory_space<semaphore_mem>>)
      %dma_wait3A_55 = arith.constant 0 : i32
      %dma_wait3A_56 = tpu.memref_slice %arg4[%add3A_32, %dma_wait3A_55] : memref<160000x128xf32, #tpu.memory_space<hbm>> -> memref<1000x128xf32, #tpu.memory_space<hbm>>
      %dma_wait3A_57 = arith.constant 0 : i32
      %dma_wait3A_58 = tpu.memref_slice %arg4[%add3A_32, %dma_wait3A_57] : memref<160000x128xf32, #tpu.memory_space<hbm>> -> memref<1000x128xf32, #tpu.memory_space<hbm>>
      tpu.wait_dma2 semaphore(%run_scoped3A : memref<!tpu.dma_semaphore, #tpu.memory_space<semaphore_mem>>) src(%arg6 : memref<1000x128xf32, #tpu.memory_space<vmem>>) dst(%dma_wait3A_58 : memref<1000x128xf32, #tpu.memory_space<hbm>>)
      tpu.yield
    }) : () -> ()
    %add3A_41 = arith.constant 4000 : i32
    %add3A_42 = arith.addi %mul3A_2, %add3A_41 : i32
    %add3A_43 = arith.constant 0 : i32
    %add3A_44 = arith.addi %add3A_43, %add3A_42 : i32
    "tpu.region"() ({
      %run_scoped3A = tpu.sem_alloc : memref<!tpu.dma_semaphore, #tpu.memory_space<semaphore_mem>>
      %dma_start3A_51 = tpu.memref_slice %arg3[%add3A_44] : memref<160000xi32, #tpu.memory_space<hbm>> -> memref<1000xi32, #tpu.memory_space<hbm>>
      %dma_start3A_52 = tpu.memref_slice %arg3[%add3A_44] : memref<160000xi32, #tpu.memory_space<hbm>> -> memref<1000xi32, #tpu.memory_space<hbm>>
      tpu.enqueue_dma source(%dma_start3A_52 : memref<1000xi32, #tpu.memory_space<hbm>>) target(%arg5 : memref<1000xi32, #tpu.memory_space<vmem>>) target_semaphore(%run_scoped3A : memref<!tpu.dma_semaphore, #tpu.memory_space<semaphore_mem>>)
      %dma_wait3A_53 = tpu.memref_slice %arg3[%add3A_44] : memref<160000xi32, #tpu.memory_space<hbm>> -> memref<1000xi32, #tpu.memory_space<hbm>>
      %dma_wait3A_54 = tpu.memref_slice %arg3[%add3A_44] : memref<160000xi32, #tpu.memory_space<hbm>> -> memref<1000xi32, #tpu.memory_space<hbm>>
      tpu.wait_dma2 semaphore(%run_scoped3A : memref<!tpu.dma_semaphore, #tpu.memory_space<semaphore_mem>>) src(%dma_wait3A_54 : memref<1000xi32, #tpu.memory_space<hbm>>) dst(%arg5 : memref<1000xi32, #tpu.memory_space<vmem>>)
      tpu.yield
    }) : () -> ()
    %dma_start3A_45 = arith.constant 0 : i32
    %dma_start3A_46 = arith.constant 0 : i32
    %dma_start3A_47 = tpu.memref_slice %arg2[%dma_start3A_45, %dma_start3A_46] : memref<10000x128xf32, #tpu.memory_space<hbm>> -> memref<10000x128xf32, #tpu.memory_space<hbm>>
    tpu.enqueue_indirect_dma source(%dma_start3A_47 : memref<10000x128xf32, #tpu.memory_space<hbm>>) target(%arg6 : memref<1000x128xf32, #tpu.memory_space<vmem>>) offsets(%arg5 : memref<1000xi32, #tpu.memory_space<vmem>>) semaphore(%arg7 : memref<!tpu.dma_semaphore, #tpu.memory_space<semaphore_mem>>)
    %dma_wait3A_48 = arith.constant 0 : i32
    %dma_wait3A_49 = arith.constant 0 : i32
    %dma_wait3A_50 = tpu.memref_slice %arg2[%dma_wait3A_48, %dma_wait3A_49] : memref<10000x128xf32, #tpu.memory_space<hbm>> -> memref<10000x128xf32, #tpu.memory_space<hbm>>
    tpu.wait_indirect_dma semaphore(%arg7 : memref<!tpu.dma_semaphore, #tpu.memory_space<semaphore_mem>>) src(%dma_wait3A_50 : memref<10000x128xf32, #tpu.memory_space<hbm>>) dst(%arg6 : memref<1000x128xf32, #tpu.memory_space<vmem>>)
    "tpu.region"() ({
      %run_scoped3A = tpu.sem_alloc : memref<!tpu.dma_semaphore, #tpu.memory_space<semaphore_mem>>
      %dma_start3A_51 = arith.constant 0 : i32
      %dma_start3A_52 = tpu.memref_slice %arg4[%add3A_42, %dma_start3A_51] : memref<160000x128xf32, #tpu.memory_space<hbm>> -> memref<1000x128xf32, #tpu.memory_space<hbm>>
      %dma_start3A_53 = arith.constant 0 : i32
      %dma_start3A_54 = tpu.memref_slice %arg4[%add3A_42, %dma_start3A_53] : memref<160000x128xf32, #tpu.memory_space<hbm>> -> memref<1000x128xf32, #tpu.memory_space<hbm>>
      tpu.enqueue_dma source(%arg6 : memref<1000x128xf32, #tpu.memory_space<vmem>>) target(%dma_start3A_54 : memref<1000x128xf32, #tpu.memory_space<hbm>>) target_semaphore(%run_scoped3A : memref<!tpu.dma_semaphore, #tpu.memory_space<semaphore_mem>>)
      %dma_wait3A_55 = arith.constant 0 : i32
      %dma_wait3A_56 = tpu.memref_slice %arg4[%add3A_42, %dma_wait3A_55] : memref<160000x128xf32, #tpu.memory_space<hbm>> -> memref<1000x128xf32, #tpu.memory_space<hbm>>
      %dma_wait3A_57 = arith.constant 0 : i32
      %dma_wait3A_58 = tpu.memref_slice %arg4[%add3A_42, %dma_wait3A_57] : memref<160000x128xf32, #tpu.memory_space<hbm>> -> memref<1000x128xf32, #tpu.memory_space<hbm>>
      tpu.wait_dma2 semaphore(%run_scoped3A : memref<!tpu.dma_semaphore, #tpu.memory_space<semaphore_mem>>) src(%arg6 : memref<1000x128xf32, #tpu.memory_space<vmem>>) dst(%dma_wait3A_58 : memref<1000x128xf32, #tpu.memory_space<hbm>>)
      tpu.yield
    }) : () -> ()
    return
  }
}

module attributes {stable_mosaic.version = 14 : i64} {
  func.func @_main_body(%arg0: i32, %arg1: memref<3200x128xbf16, #tpu.memory_space<vmem>>, %arg2: memref<3200x16xf32, #tpu.memory_space<vmem>>, %arg3: memref<3200x128xf32, #tpu.memory_space<vmem>>, %arg4: memref<200x128xf32, #tpu.memory_space<vmem>>, %arg5: memref<160x512xbf16, #tpu.memory_space<vmem>>, %arg6: memref<1x512xbf16, #tpu.memory_space<vmem>>, %arg7: memref<8x128xf32, #tpu.memory_space<vmem>>, %arg8: memref<1x128xf32, #tpu.memory_space<vmem>>, %arg9: memref<3200x16xf32, #tpu.memory_space<vmem>>, %arg10: memref<200x3200xf32, #tpu.memory_space<vmem>>, %arg11: memref<3200x200xf32, #tpu.memory_space<vmem>>, %arg12: memref<64x1xbf16, #tpu.memory_space<vmem>>, %arg13: memref<128x64xf32, #tpu.memory_space<vmem>>, %arg14: memref<64x64xbf16, #tpu.memory_space<vmem>>, %arg15: memref<1x64xf32, #tpu.memory_space<vmem>>, %arg16: memref<128x64xf32, #tpu.memory_space<vmem>>, %arg17: memref<64x64xf32, #tpu.memory_space<vmem>>, %arg18: memref<1x64xf32, #tpu.memory_space<vmem>>, %arg19: memref<200x64xf32, #tpu.memory_space<vmem>>) attributes {dimension_semantics = [#tpu.dimension_semantics<arbitrary>], iteration_bounds = array<i64: 50>, scalar_prefetch = 0 : i64, scratch_operands = 0 : i64, tpu.core_type = #tpu.core_type<tc>, window_params = [{transform_indices = @transform_0, window_bounds = array<i64: 3200, 128>}, {transform_indices = @transform_1, window_bounds = array<i64: 3200, 16>}, {transform_indices = @transform_2, window_bounds = array<i64: 3200, 128>}, {transform_indices = @transform_3, window_bounds = array<i64: 200, 128>}, {pipeline_mode = #tpu.pipeline_mode<synchronous>, transform_indices = @transform_4, window_bounds = array<i64: 160, 512>}, {pipeline_mode = #tpu.pipeline_mode<synchronous>, transform_indices = @transform_5, window_bounds = array<i64: 1, 512>}, {pipeline_mode = #tpu.pipeline_mode<synchronous>, transform_indices = @transform_6, window_bounds = array<i64: 8, 128>}, {pipeline_mode = #tpu.pipeline_mode<synchronous>, transform_indices = @transform_7, window_bounds = array<i64: 1, 128>}, {pipeline_mode = #tpu.pipeline_mode<synchronous>, transform_indices = @transform_8, window_bounds = array<i64: 3200, 16>}, {pipeline_mode = #tpu.pipeline_mode<synchronous>, transform_indices = @transform_9, window_bounds = array<i64: 200, 3200>}, {pipeline_mode = #tpu.pipeline_mode<synchronous>, transform_indices = @transform_10, window_bounds = array<i64: 3200, 200>}, {pipeline_mode = #tpu.pipeline_mode<synchronous>, transform_indices = @transform_11, window_bounds = array<i64: 64, 1>}, {pipeline_mode = #tpu.pipeline_mode<synchronous>, transform_indices = @transform_12, window_bounds = array<i64: 128, 64>}, {pipeline_mode = #tpu.pipeline_mode<synchronous>, transform_indices = @transform_13, window_bounds = array<i64: 64, 64>}, {pipeline_mode = #tpu.pipeline_mode<synchronous>, transform_indices = @transform_14, window_bounds = array<i64: 1, 64>}, {pipeline_mode = #tpu.pipeline_mode<synchronous>, transform_indices = @transform_15, window_bounds = array<i64: 128, 64>}, {pipeline_mode = #tpu.pipeline_mode<synchronous>, transform_indices = @transform_16, window_bounds = array<i64: 64, 64>}, {pipeline_mode = #tpu.pipeline_mode<synchronous>, transform_indices = @transform_17, window_bounds = array<i64: 1, 64>}, {transform_indices = @transform_18, window_bounds = array<i64: 200, 64>}]} {
    %get3A = arith.constant 0 : index
    %get3A_0 = arith.constant 0 : index
    %get3A_1 = vector.load %arg1[%get3A, %get3A_0] : memref<3200x128xbf16, #tpu.memory_space<vmem>>, vector<3200x128xbf16>
    %get3A_2 = arith.constant 0 : index
    %get3A_3 = arith.constant 0 : index
    %get3A_4 = vector.load %arg2[%get3A_2, %get3A_3] : memref<3200x16xf32, #tpu.memory_space<vmem>>, vector<3200x16xf32>
    %slice3A = vector.extract_strided_slice %get3A_4 {offsets = [0, 0], sizes = [3200, 8], strides = [1, 1]} : vector<3200x16xf32> to vector<3200x8xf32>
    %get3A_5 = arith.constant 0 : index
    %get3A_6 = arith.constant 0 : index
    %get3A_7 = vector.load %arg2[%get3A_5, %get3A_6] : memref<3200x16xf32, #tpu.memory_space<vmem>>, vector<3200x16xf32>
    %slice3A_8 = vector.extract_strided_slice %get3A_7 {offsets = [0, 8], sizes = [3200, 8], strides = [1, 1]} : vector<3200x16xf32> to vector<3200x8xf32>
    %get3A_9 = arith.constant 0 : index
    %get3A_10 = arith.constant 0 : index
    %get3A_11 = vector.load %arg7[%get3A_9, %get3A_10] : memref<8x128xf32, #tpu.memory_space<vmem>>, vector<8x128xf32>
    %dot_general3A = arith.constant dense<0.000000e+00> : vector<3200x128xf32>
    %dot_general3A_12 = tpu.matmul %slice3A, %get3A_11, %dot_general3A {dimension_numbers = #tpu.dot_dimension_numbers<[1], [0], [0], [1], [0, 0, 1, 1], [], []>, transpose_lhs_hint = false} : vector<3200x8xf32>, vector<8x128xf32>, vector<3200x128xf32> -> vector<3200x128xf32>
    %get3A_13 = arith.constant 0 : index
    %get3A_14 = arith.constant 0 : index
    %get3A_15 = vector.load %arg8[%get3A_13, %get3A_14] : memref<1x128xf32, #tpu.memory_space<vmem>>, vector<1x128xf32>
    %add3A = vector.broadcast %get3A_15 : vector<1x128xf32> to vector<3200x128xf32>
    %add3A_16 = arith.addf %dot_general3A_12, %add3A : vector<3200x128xf32>
    %iota3A = tpu.iota {dimensions = array<i32: 1>} : vector<1x128xi32>
    %jit3A = arith.constant 16 : i32
    %eq3A = arith.constant 0 : i32
    %eq3A_17 = arith.cmpi eq, %jit3A, %eq3A : i32
    %jit3A_18 = arith.constant 1 : i32
    %select_n3A = arith.select %eq3A_17, %jit3A_18, %jit3A : i32
    %rem3A = vector.broadcast %select_n3A : i32 to vector<1x128xi32>
    %rem3A_19 = arith.remsi %iota3A, %rem3A : vector<1x128xi32>
    %ne3A = arith.constant 0 : i32
    %ne3A_20 = vector.broadcast %ne3A : i32 to vector<1x128xi32>
    %ne3A_21 = arith.cmpi ne, %rem3A_19, %ne3A_20 : vector<1x128xi32>
    %lt3A = arith.constant 0 : i32
    %lt3A_22 = vector.broadcast %lt3A : i32 to vector<1x128xi32>
    %lt3A_23 = arith.cmpi slt, %rem3A_19, %lt3A_22 : vector<1x128xi32>
    %lt3A_24 = arith.constant 0 : i32
    %lt3A_25 = arith.cmpi slt, %select_n3A, %lt3A_24 : i32
    %ne3A_26 = vector.broadcast %lt3A_25 : i1 to vector<1x128xi1>
    %ne3A_27 = vector.broadcast %ne3A_26 : vector<1x128xi1> to vector<1x128xi1>
    %ne3A_28 = arith.xori %lt3A_23, %ne3A_27 : vector<1x128xi1>
    %and3A = arith.andi %ne3A_28, %ne3A_21 : vector<1x128xi1>
    %add3A_29 = vector.broadcast %select_n3A : i32 to vector<1x128xi32>
    %add3A_30 = arith.addi %rem3A_19, %add3A_29 : vector<1x128xi32>
    %select_n3A_31 = arith.select %and3A, %add3A_30, %rem3A_19 : vector<1x128xi1>, vector<1x128xi32>
    %lt3A_32 = arith.constant 15 : i32
    %lt3A_33 = vector.broadcast %lt3A_32 : i32 to vector<1x128xi32>
    %lt3A_34 = arith.cmpi slt, %select_n3A_31, %lt3A_33 : vector<1x128xi32>
    %mul3A = arith.constant 0.159154937 : f32
    %mul3A_35 = vector.broadcast %mul3A : f32 to vector<3200x128xf32>
    %mul3A_36 = arith.mulf %add3A_16, %mul3A_35 : vector<3200x128xf32>
    %round3A = math.roundeven %mul3A_36 : vector<3200x128xf32>
    %mul3A_37 = arith.constant 6.28318548 : f32
    %mul3A_38 = vector.broadcast %mul3A_37 : f32 to vector<3200x128xf32>
    %mul3A_39 = arith.mulf %round3A, %mul3A_38 : vector<3200x128xf32>
    %sub3A = arith.subf %add3A_16, %mul3A_39 : vector<3200x128xf32>
    %mul3A_40 = arith.mulf %sub3A, %sub3A : vector<3200x128xf32>
    %mul3A_41 = arith.constant -2.0533875E-8 : f32
    %mul3A_42 = vector.broadcast %mul3A_41 : f32 to vector<3200x128xf32>
    %mul3A_43 = arith.mulf %mul3A_42, %mul3A_40 : vector<3200x128xf32>
    %add3A_44 = arith.constant 2.70404257E-6 : f32
    %add3A_45 = vector.broadcast %add3A_44 : f32 to vector<3200x128xf32>
    %add3A_46 = arith.addf %mul3A_43, %add3A_45 : vector<3200x128xf32>
    %mul3A_47 = arith.mulf %add3A_46, %mul3A_40 : vector<3200x128xf32>
    %add3A_48 = arith.constant -1.98125679E-4 : f32
    %add3A_49 = vector.broadcast %add3A_48 : f32 to vector<3200x128xf32>
    %add3A_50 = arith.addf %mul3A_47, %add3A_49 : vector<3200x128xf32>
    %mul3A_51 = arith.mulf %add3A_50, %mul3A_40 : vector<3200x128xf32>
    %add3A_52 = arith.constant 0.00833255798 : f32
    %add3A_53 = vector.broadcast %add3A_52 : f32 to vector<3200x128xf32>
    %add3A_54 = arith.addf %mul3A_51, %add3A_53 : vector<3200x128xf32>
    %mul3A_55 = arith.mulf %add3A_54, %mul3A_40 : vector<3200x128xf32>
    %add3A_56 = arith.constant -0.166665778 : f32
    %add3A_57 = vector.broadcast %add3A_56 : f32 to vector<3200x128xf32>
    %add3A_58 = arith.addf %mul3A_55, %add3A_57 : vector<3200x128xf32>
    %mul3A_59 = arith.mulf %add3A_58, %mul3A_40 : vector<3200x128xf32>
    %add3A_60 = arith.constant 0.999999701 : f32
    %add3A_61 = vector.broadcast %add3A_60 : f32 to vector<3200x128xf32>
    %add3A_62 = arith.addf %mul3A_59, %add3A_61 : vector<3200x128xf32>
    %mul3A_63 = arith.mulf %sub3A, %add3A_62 : vector<3200x128xf32>
    %broadcast_in_dim3A = vector.shape_cast %lt3A_34 : vector<1x128xi1> to vector<1x128xi1>
    %broadcast_in_dim3A_64 = vector.broadcast %broadcast_in_dim3A : vector<1x128xi1> to vector<3200x128xi1>
    %select_n3A_65 = arith.select %broadcast_in_dim3A_64, %mul3A_63, %add3A_16 : vector<3200x128xi1>, vector<3200x128xf32>
    %convert_element_type3A = arith.truncf %select_n3A_65 : vector<3200x128xf32> to vector<3200x128xbf16>
    %get3A_66 = arith.constant 0 : index
    %get3A_67 = arith.constant 0 : index
    %get3A_68 = vector.load %arg5[%get3A_66, %get3A_67] : memref<160x512xbf16, #tpu.memory_space<vmem>>, vector<160x512xbf16>
    %get3A_69 = arith.constant 0 : index
    %get3A_70 = arith.constant 0 : index
    %get3A_71 = vector.load %arg6[%get3A_69, %get3A_70] : memref<1x512xbf16, #tpu.memory_space<vmem>>, vector<1x512xbf16>
    %broadcast_in_dim3A_72 = arith.constant 0.000000e+00 : bf16
    %broadcast_in_dim3A_73 = vector.broadcast %broadcast_in_dim3A_72 : bf16 to vector<3200x128xbf16>
    %broadcast_in_dim3A_74 = arith.constant 0.000000e+00 : bf16
    %broadcast_in_dim3A_75 = vector.broadcast %broadcast_in_dim3A_74 : bf16 to vector<3200x128xbf16>
    %broadcast_in_dim3A_76 = arith.constant 0.000000e+00 : bf16
    %broadcast_in_dim3A_77 = vector.broadcast %broadcast_in_dim3A_76 : bf16 to vector<3200x128xbf16>
    %slice3A_78 = vector.extract_strided_slice %get3A_1 {offsets = [0, 0], sizes = [3200, 16], strides = [1, 1]} : vector<3200x128xbf16> to vector<3200x16xbf16>
    %slice3A_79 = vector.extract_strided_slice %convert_element_type3A {offsets = [0, 0], sizes = [3200, 16], strides = [1, 1]} : vector<3200x128xbf16> to vector<3200x16xbf16>
    %concatenate3A = tpu.concatenate %slice3A_78, %slice3A_79, %broadcast_in_dim3A_73 in 1 : vector<3200x16xbf16>, vector<3200x16xbf16>, vector<3200x128xbf16> -> vector<3200x160xbf16>
    %dot_general3A_80 = arith.constant dense<0.000000e+00> : vector<3200x512xf32>
    %dot_general3A_81 = tpu.matmul %concatenate3A, %get3A_68, %dot_general3A_80 {dimension_numbers = #tpu.dot_dimension_numbers<[1], [0], [0], [1], [0, 0, 1, 1], [], []>, transpose_lhs_hint = false} : vector<3200x160xbf16>, vector<160x512xbf16>, vector<3200x512xf32> -> vector<3200x512xf32>
    %convert_element_type3A_82 = arith.truncf %dot_general3A_81 : vector<3200x512xf32> to vector<3200x512xbf16>
    %add3A_83 = vector.broadcast %get3A_71 : vector<1x512xbf16> to vector<3200x512xbf16>
    %add3A_84 = arith.addf %convert_element_type3A_82, %add3A_83 : vector<3200x512xbf16>
    %tanh3A = math.tanh %add3A_84 : vector<3200x512xbf16>
    %slice3A_85 = vector.extract_strided_slice %tanh3A {offsets = [0, 0], sizes = [3200, 128], strides = [1, 1]} : vector<3200x512xbf16> to vector<3200x128xbf16>
    %slice3A_86 = vector.extract_strided_slice %tanh3A {offsets = [0, 128], sizes = [3200, 128], strides = [1, 1]} : vector<3200x512xbf16> to vector<3200x128xbf16>
    %slice3A_87 = vector.extract_strided_slice %tanh3A {offsets = [0, 256], sizes = [3200, 128], strides = [1, 1]} : vector<3200x512xbf16> to vector<3200x128xbf16>
    %slice3A_88 = vector.extract_strided_slice %tanh3A {offsets = [0, 384], sizes = [3200, 128], strides = [1, 1]} : vector<3200x512xbf16> to vector<3200x128xbf16>
    %add3A_89 = arith.constant 1.000000e+00 : bf16
    %add3A_90 = vector.broadcast %add3A_89 : bf16 to vector<3200x128xbf16>
    %add3A_91 = arith.addf %slice3A_86, %add3A_90 : vector<3200x128xbf16>
    %mul3A_92 = arith.mulf %broadcast_in_dim3A_75, %add3A_91 : vector<3200x128xbf16>
    %add3A_93 = arith.constant 1.000000e+00 : bf16
    %add3A_94 = vector.broadcast %add3A_93 : bf16 to vector<3200x128xbf16>
    %add3A_95 = arith.addf %slice3A_85, %add3A_94 : vector<3200x128xbf16>
    %mul3A_96 = arith.mulf %slice3A_87, %add3A_95 : vector<3200x128xbf16>
    %add3A_97 = arith.addf %mul3A_92, %mul3A_96 : vector<3200x128xbf16>
    %mul3A_98 = arith.constant 5.000000e-01 : bf16
    %mul3A_99 = vector.broadcast %mul3A_98 : bf16 to vector<3200x128xbf16>
    %mul3A_100 = arith.mulf %mul3A_99, %add3A_97 : vector<3200x128xbf16>
    %add3A_101 = arith.constant 1.000000e+00 : bf16
    %add3A_102 = vector.broadcast %add3A_101 : bf16 to vector<3200x128xbf16>
    %add3A_103 = arith.addf %slice3A_88, %add3A_102 : vector<3200x128xbf16>
    %tanh3A_104 = math.tanh %mul3A_100 : vector<3200x128xbf16>
    %mul3A_105 = arith.mulf %add3A_103, %tanh3A_104 : vector<3200x128xbf16>
    %slice3A_106 = vector.extract_strided_slice %slice3A_8 {offsets = [0, 0], sizes = [3200, 1], strides = [1, 1]} : vector<3200x8xf32> to vector<3200x1xf32>
    %gt3A = arith.constant 0.000000e+00 : f32
    %gt3A_107 = vector.broadcast %gt3A : f32 to vector<3200x1xf32>
    %gt3A_108 = arith.cmpf ogt, %slice3A_106, %gt3A_107 : vector<3200x1xf32>
    %broadcast_in_dim3A_109 = vector.shape_cast %gt3A_108 : vector<3200x1xi1> to vector<3200x1xi1>
    %broadcast_in_dim3A_110 = vector.broadcast %broadcast_in_dim3A_109 : vector<3200x1xi1> to vector<3200x128xi1>
    %select_n3A_111 = arith.select %broadcast_in_dim3A_110, %mul3A_105, %broadcast_in_dim3A_77 : vector<3200x128xi1>, vector<3200x128xbf16>
    %slice3A_112 = vector.extract_strided_slice %get3A_1 {offsets = [0, 16], sizes = [3200, 16], strides = [1, 1]} : vector<3200x128xbf16> to vector<3200x16xbf16>
    %slice3A_113 = vector.extract_strided_slice %convert_element_type3A {offsets = [0, 16], sizes = [3200, 16], strides = [1, 1]} : vector<3200x128xbf16> to vector<3200x16xbf16>
    %concatenate3A_114 = tpu.concatenate %slice3A_112, %slice3A_113, %mul3A_105 in 1 : vector<3200x16xbf16>, vector<3200x16xbf16>, vector<3200x128xbf16> -> vector<3200x160xbf16>
    %dot_general3A_115 = arith.constant dense<0.000000e+00> : vector<3200x512xf32>
    %dot_general3A_116 = tpu.matmul %concatenate3A_114, %get3A_68, %dot_general3A_115 {dimension_numbers = #tpu.dot_dimension_numbers<[1], [0], [0], [1], [0, 0, 1, 1], [], []>, transpose_lhs_hint = false} : vector<3200x160xbf16>, vector<160x512xbf16>, vector<3200x512xf32> -> vector<3200x512xf32>
    %convert_element_type3A_117 = arith.truncf %dot_general3A_116 : vector<3200x512xf32> to vector<3200x512xbf16>
    %add3A_118 = vector.broadcast %get3A_71 : vector<1x512xbf16> to vector<3200x512xbf16>
    %add3A_119 = arith.addf %convert_element_type3A_117, %add3A_118 : vector<3200x512xbf16>
    %tanh3A_120 = math.tanh %add3A_119 : vector<3200x512xbf16>
    %slice3A_121 = vector.extract_strided_slice %tanh3A_120 {offsets = [0, 0], sizes = [3200, 128], strides = [1, 1]} : vector<3200x512xbf16> to vector<3200x128xbf16>
    %slice3A_122 = vector.extract_strided_slice %tanh3A_120 {offsets = [0, 128], sizes = [3200, 128], strides = [1, 1]} : vector<3200x512xbf16> to vector<3200x128xbf16>
    %slice3A_123 = vector.extract_strided_slice %tanh3A_120 {offsets = [0, 256], sizes = [3200, 128], strides = [1, 1]} : vector<3200x512xbf16> to vector<3200x128xbf16>
    %slice3A_124 = vector.extract_strided_slice %tanh3A_120 {offsets = [0, 384], sizes = [3200, 128], strides = [1, 1]} : vector<3200x512xbf16> to vector<3200x128xbf16>
    %add3A_125 = arith.constant 1.000000e+00 : bf16
    %add3A_126 = vector.broadcast %add3A_125 : bf16 to vector<3200x128xbf16>
    %add3A_127 = arith.addf %slice3A_122, %add3A_126 : vector<3200x128xbf16>
    %mul3A_128 = arith.mulf %mul3A_100, %add3A_127 : vector<3200x128xbf16>
    %add3A_129 = arith.constant 1.000000e+00 : bf16
    %add3A_130 = vector.broadcast %add3A_129 : bf16 to vector<3200x128xbf16>
    %add3A_131 = arith.addf %slice3A_121, %add3A_130 : vector<3200x128xbf16>
    %mul3A_132 = arith.mulf %slice3A_123, %add3A_131 : vector<3200x128xbf16>
    %add3A_133 = arith.addf %mul3A_128, %mul3A_132 : vector<3200x128xbf16>
    %mul3A_134 = arith.constant 5.000000e-01 : bf16
    %mul3A_135 = vector.broadcast %mul3A_134 : bf16 to vector<3200x128xbf16>
    %mul3A_136 = arith.mulf %mul3A_135, %add3A_133 : vector<3200x128xbf16>
    %add3A_137 = arith.constant 1.000000e+00 : bf16
    %add3A_138 = vector.broadcast %add3A_137 : bf16 to vector<3200x128xbf16>
    %add3A_139 = arith.addf %slice3A_124, %add3A_138 : vector<3200x128xbf16>
    %tanh3A_140 = math.tanh %mul3A_136 : vector<3200x128xbf16>
    %mul3A_141 = arith.mulf %add3A_139, %tanh3A_140 : vector<3200x128xbf16>
    %slice3A_142 = vector.extract_strided_slice %slice3A_8 {offsets = [0, 1], sizes = [3200, 1], strides = [1, 1]} : vector<3200x8xf32> to vector<3200x1xf32>
    %gt3A_143 = arith.constant 0.000000e+00 : f32
    %gt3A_144 = vector.broadcast %gt3A_143 : f32 to vector<3200x1xf32>
    %gt3A_145 = arith.cmpf ogt, %slice3A_142, %gt3A_144 : vector<3200x1xf32>
    %broadcast_in_dim3A_146 = vector.shape_cast %gt3A_145 : vector<3200x1xi1> to vector<3200x1xi1>
    %broadcast_in_dim3A_147 = vector.broadcast %broadcast_in_dim3A_146 : vector<3200x1xi1> to vector<3200x128xi1>
    %select_n3A_148 = arith.select %broadcast_in_dim3A_147, %mul3A_141, %select_n3A_111 : vector<3200x128xi1>, vector<3200x128xbf16>
    %slice3A_149 = vector.extract_strided_slice %get3A_1 {offsets = [0, 32], sizes = [3200, 16], strides = [1, 1]} : vector<3200x128xbf16> to vector<3200x16xbf16>
    %slice3A_150 = vector.extract_strided_slice %convert_element_type3A {offsets = [0, 32], sizes = [3200, 16], strides = [1, 1]} : vector<3200x128xbf16> to vector<3200x16xbf16>
    %concatenate3A_151 = tpu.concatenate %slice3A_149, %slice3A_150, %mul3A_141 in 1 : vector<3200x16xbf16>, vector<3200x16xbf16>, vector<3200x128xbf16> -> vector<3200x160xbf16>
    %dot_general3A_152 = arith.constant dense<0.000000e+00> : vector<3200x512xf32>
    %dot_general3A_153 = tpu.matmul %concatenate3A_151, %get3A_68, %dot_general3A_152 {dimension_numbers = #tpu.dot_dimension_numbers<[1], [0], [0], [1], [0, 0, 1, 1], [], []>, transpose_lhs_hint = false} : vector<3200x160xbf16>, vector<160x512xbf16>, vector<3200x512xf32> -> vector<3200x512xf32>
    %convert_element_type3A_154 = arith.truncf %dot_general3A_153 : vector<3200x512xf32> to vector<3200x512xbf16>
    %add3A_155 = vector.broadcast %get3A_71 : vector<1x512xbf16> to vector<3200x512xbf16>
    %add3A_156 = arith.addf %convert_element_type3A_154, %add3A_155 : vector<3200x512xbf16>
    %tanh3A_157 = math.tanh %add3A_156 : vector<3200x512xbf16>
    %slice3A_158 = vector.extract_strided_slice %tanh3A_157 {offsets = [0, 0], sizes = [3200, 128], strides = [1, 1]} : vector<3200x512xbf16> to vector<3200x128xbf16>
    %slice3A_159 = vector.extract_strided_slice %tanh3A_157 {offsets = [0, 128], sizes = [3200, 128], strides = [1, 1]} : vector<3200x512xbf16> to vector<3200x128xbf16>
    %slice3A_160 = vector.extract_strided_slice %tanh3A_157 {offsets = [0, 256], sizes = [3200, 128], strides = [1, 1]} : vector<3200x512xbf16> to vector<3200x128xbf16>
    %slice3A_161 = vector.extract_strided_slice %tanh3A_157 {offsets = [0, 384], sizes = [3200, 128], strides = [1, 1]} : vector<3200x512xbf16> to vector<3200x128xbf16>
    %add3A_162 = arith.constant 1.000000e+00 : bf16
    %add3A_163 = vector.broadcast %add3A_162 : bf16 to vector<3200x128xbf16>
    %add3A_164 = arith.addf %slice3A_159, %add3A_163 : vector<3200x128xbf16>
    %mul3A_165 = arith.mulf %mul3A_136, %add3A_164 : vector<3200x128xbf16>
    %add3A_166 = arith.constant 1.000000e+00 : bf16
    %add3A_167 = vector.broadcast %add3A_166 : bf16 to vector<3200x128xbf16>
    %add3A_168 = arith.addf %slice3A_158, %add3A_167 : vector<3200x128xbf16>
    %mul3A_169 = arith.mulf %slice3A_160, %add3A_168 : vector<3200x128xbf16>
    %add3A_170 = arith.addf %mul3A_165, %mul3A_169 : vector<3200x128xbf16>
    %mul3A_171 = arith.constant 5.000000e-01 : bf16
    %mul3A_172 = vector.broadcast %mul3A_171 : bf16 to vector<3200x128xbf16>
    %mul3A_173 = arith.mulf %mul3A_172, %add3A_170 : vector<3200x128xbf16>
    %add3A_174 = arith.constant 1.000000e+00 : bf16
    %add3A_175 = vector.broadcast %add3A_174 : bf16 to vector<3200x128xbf16>
    %add3A_176 = arith.addf %slice3A_161, %add3A_175 : vector<3200x128xbf16>
    %tanh3A_177 = math.tanh %mul3A_173 : vector<3200x128xbf16>
    %mul3A_178 = arith.mulf %add3A_176, %tanh3A_177 : vector<3200x128xbf16>
    %slice3A_179 = vector.extract_strided_slice %slice3A_8 {offsets = [0, 2], sizes = [3200, 1], strides = [1, 1]} : vector<3200x8xf32> to vector<3200x1xf32>
    %gt3A_180 = arith.constant 0.000000e+00 : f32
    %gt3A_181 = vector.broadcast %gt3A_180 : f32 to vector<3200x1xf32>
    %gt3A_182 = arith.cmpf ogt, %slice3A_179, %gt3A_181 : vector<3200x1xf32>
    %broadcast_in_dim3A_183 = vector.shape_cast %gt3A_182 : vector<3200x1xi1> to vector<3200x1xi1>
    %broadcast_in_dim3A_184 = vector.broadcast %broadcast_in_dim3A_183 : vector<3200x1xi1> to vector<3200x128xi1>
    %select_n3A_185 = arith.select %broadcast_in_dim3A_184, %mul3A_178, %select_n3A_148 : vector<3200x128xi1>, vector<3200x128xbf16>
    %slice3A_186 = vector.extract_strided_slice %get3A_1 {offsets = [0, 48], sizes = [3200, 16], strides = [1, 1]} : vector<3200x128xbf16> to vector<3200x16xbf16>
    %slice3A_187 = vector.extract_strided_slice %convert_element_type3A {offsets = [0, 48], sizes = [3200, 16], strides = [1, 1]} : vector<3200x128xbf16> to vector<3200x16xbf16>
    %concatenate3A_188 = tpu.concatenate %slice3A_186, %slice3A_187, %mul3A_178 in 1 : vector<3200x16xbf16>, vector<3200x16xbf16>, vector<3200x128xbf16> -> vector<3200x160xbf16>
    %dot_general3A_189 = arith.constant dense<0.000000e+00> : vector<3200x512xf32>
    %dot_general3A_190 = tpu.matmul %concatenate3A_188, %get3A_68, %dot_general3A_189 {dimension_numbers = #tpu.dot_dimension_numbers<[1], [0], [0], [1], [0, 0, 1, 1], [], []>, transpose_lhs_hint = false} : vector<3200x160xbf16>, vector<160x512xbf16>, vector<3200x512xf32> -> vector<3200x512xf32>
    %convert_element_type3A_191 = arith.truncf %dot_general3A_190 : vector<3200x512xf32> to vector<3200x512xbf16>
    %add3A_192 = vector.broadcast %get3A_71 : vector<1x512xbf16> to vector<3200x512xbf16>
    %add3A_193 = arith.addf %convert_element_type3A_191, %add3A_192 : vector<3200x512xbf16>
    %tanh3A_194 = math.tanh %add3A_193 : vector<3200x512xbf16>
    %slice3A_195 = vector.extract_strided_slice %tanh3A_194 {offsets = [0, 0], sizes = [3200, 128], strides = [1, 1]} : vector<3200x512xbf16> to vector<3200x128xbf16>
    %slice3A_196 = vector.extract_strided_slice %tanh3A_194 {offsets = [0, 128], sizes = [3200, 128], strides = [1, 1]} : vector<3200x512xbf16> to vector<3200x128xbf16>
    %slice3A_197 = vector.extract_strided_slice %tanh3A_194 {offsets = [0, 256], sizes = [3200, 128], strides = [1, 1]} : vector<3200x512xbf16> to vector<3200x128xbf16>
    %slice3A_198 = vector.extract_strided_slice %tanh3A_194 {offsets = [0, 384], sizes = [3200, 128], strides = [1, 1]} : vector<3200x512xbf16> to vector<3200x128xbf16>
    %add3A_199 = arith.constant 1.000000e+00 : bf16
    %add3A_200 = vector.broadcast %add3A_199 : bf16 to vector<3200x128xbf16>
    %add3A_201 = arith.addf %slice3A_196, %add3A_200 : vector<3200x128xbf16>
    %mul3A_202 = arith.mulf %mul3A_173, %add3A_201 : vector<3200x128xbf16>
    %add3A_203 = arith.constant 1.000000e+00 : bf16
    %add3A_204 = vector.broadcast %add3A_203 : bf16 to vector<3200x128xbf16>
    %add3A_205 = arith.addf %slice3A_195, %add3A_204 : vector<3200x128xbf16>
    %mul3A_206 = arith.mulf %slice3A_197, %add3A_205 : vector<3200x128xbf16>
    %add3A_207 = arith.addf %mul3A_202, %mul3A_206 : vector<3200x128xbf16>
    %mul3A_208 = arith.constant 5.000000e-01 : bf16
    %mul3A_209 = vector.broadcast %mul3A_208 : bf16 to vector<3200x128xbf16>
    %mul3A_210 = arith.mulf %mul3A_209, %add3A_207 : vector<3200x128xbf16>
    %add3A_211 = arith.constant 1.000000e+00 : bf16
    %add3A_212 = vector.broadcast %add3A_211 : bf16 to vector<3200x128xbf16>
    %add3A_213 = arith.addf %slice3A_198, %add3A_212 : vector<3200x128xbf16>
    %tanh3A_214 = math.tanh %mul3A_210 : vector<3200x128xbf16>
    %mul3A_215 = arith.mulf %add3A_213, %tanh3A_214 : vector<3200x128xbf16>
    %slice3A_216 = vector.extract_strided_slice %slice3A_8 {offsets = [0, 3], sizes = [3200, 1], strides = [1, 1]} : vector<3200x8xf32> to vector<3200x1xf32>
    %gt3A_217 = arith.constant 0.000000e+00 : f32
    %gt3A_218 = vector.broadcast %gt3A_217 : f32 to vector<3200x1xf32>
    %gt3A_219 = arith.cmpf ogt, %slice3A_216, %gt3A_218 : vector<3200x1xf32>
    %broadcast_in_dim3A_220 = vector.shape_cast %gt3A_219 : vector<3200x1xi1> to vector<3200x1xi1>
    %broadcast_in_dim3A_221 = vector.broadcast %broadcast_in_dim3A_220 : vector<3200x1xi1> to vector<3200x128xi1>
    %select_n3A_222 = arith.select %broadcast_in_dim3A_221, %mul3A_215, %select_n3A_185 : vector<3200x128xi1>, vector<3200x128xbf16>
    %slice3A_223 = vector.extract_strided_slice %get3A_1 {offsets = [0, 64], sizes = [3200, 16], strides = [1, 1]} : vector<3200x128xbf16> to vector<3200x16xbf16>
    %slice3A_224 = vector.extract_strided_slice %convert_element_type3A {offsets = [0, 64], sizes = [3200, 16], strides = [1, 1]} : vector<3200x128xbf16> to vector<3200x16xbf16>
    %concatenate3A_225 = tpu.concatenate %slice3A_223, %slice3A_224, %mul3A_215 in 1 : vector<3200x16xbf16>, vector<3200x16xbf16>, vector<3200x128xbf16> -> vector<3200x160xbf16>
    %dot_general3A_226 = arith.constant dense<0.000000e+00> : vector<3200x512xf32>
    %dot_general3A_227 = tpu.matmul %concatenate3A_225, %get3A_68, %dot_general3A_226 {dimension_numbers = #tpu.dot_dimension_numbers<[1], [0], [0], [1], [0, 0, 1, 1], [], []>, transpose_lhs_hint = false} : vector<3200x160xbf16>, vector<160x512xbf16>, vector<3200x512xf32> -> vector<3200x512xf32>
    %convert_element_type3A_228 = arith.truncf %dot_general3A_227 : vector<3200x512xf32> to vector<3200x512xbf16>
    %add3A_229 = vector.broadcast %get3A_71 : vector<1x512xbf16> to vector<3200x512xbf16>
    %add3A_230 = arith.addf %convert_element_type3A_228, %add3A_229 : vector<3200x512xbf16>
    %tanh3A_231 = math.tanh %add3A_230 : vector<3200x512xbf16>
    %slice3A_232 = vector.extract_strided_slice %tanh3A_231 {offsets = [0, 0], sizes = [3200, 128], strides = [1, 1]} : vector<3200x512xbf16> to vector<3200x128xbf16>
    %slice3A_233 = vector.extract_strided_slice %tanh3A_231 {offsets = [0, 128], sizes = [3200, 128], strides = [1, 1]} : vector<3200x512xbf16> to vector<3200x128xbf16>
    %slice3A_234 = vector.extract_strided_slice %tanh3A_231 {offsets = [0, 256], sizes = [3200, 128], strides = [1, 1]} : vector<3200x512xbf16> to vector<3200x128xbf16>
    %slice3A_235 = vector.extract_strided_slice %tanh3A_231 {offsets = [0, 384], sizes = [3200, 128], strides = [1, 1]} : vector<3200x512xbf16> to vector<3200x128xbf16>
    %add3A_236 = arith.constant 1.000000e+00 : bf16
    %add3A_237 = vector.broadcast %add3A_236 : bf16 to vector<3200x128xbf16>
    %add3A_238 = arith.addf %slice3A_233, %add3A_237 : vector<3200x128xbf16>
    %mul3A_239 = arith.mulf %mul3A_210, %add3A_238 : vector<3200x128xbf16>
    %add3A_240 = arith.constant 1.000000e+00 : bf16
    %add3A_241 = vector.broadcast %add3A_240 : bf16 to vector<3200x128xbf16>
    %add3A_242 = arith.addf %slice3A_232, %add3A_241 : vector<3200x128xbf16>
    %mul3A_243 = arith.mulf %slice3A_234, %add3A_242 : vector<3200x128xbf16>
    %add3A_244 = arith.addf %mul3A_239, %mul3A_243 : vector<3200x128xbf16>
    %mul3A_245 = arith.constant 5.000000e-01 : bf16
    %mul3A_246 = vector.broadcast %mul3A_245 : bf16 to vector<3200x128xbf16>
    %mul3A_247 = arith.mulf %mul3A_246, %add3A_244 : vector<3200x128xbf16>
    %add3A_248 = arith.constant 1.000000e+00 : bf16
    %add3A_249 = vector.broadcast %add3A_248 : bf16 to vector<3200x128xbf16>
    %add3A_250 = arith.addf %slice3A_235, %add3A_249 : vector<3200x128xbf16>
    %tanh3A_251 = math.tanh %mul3A_247 : vector<3200x128xbf16>
    %mul3A_252 = arith.mulf %add3A_250, %tanh3A_251 : vector<3200x128xbf16>
    %slice3A_253 = vector.extract_strided_slice %slice3A_8 {offsets = [0, 4], sizes = [3200, 1], strides = [1, 1]} : vector<3200x8xf32> to vector<3200x1xf32>
    %gt3A_254 = arith.constant 0.000000e+00 : f32
    %gt3A_255 = vector.broadcast %gt3A_254 : f32 to vector<3200x1xf32>
    %gt3A_256 = arith.cmpf ogt, %slice3A_253, %gt3A_255 : vector<3200x1xf32>
    %broadcast_in_dim3A_257 = vector.shape_cast %gt3A_256 : vector<3200x1xi1> to vector<3200x1xi1>
    %broadcast_in_dim3A_258 = vector.broadcast %broadcast_in_dim3A_257 : vector<3200x1xi1> to vector<3200x128xi1>
    %select_n3A_259 = arith.select %broadcast_in_dim3A_258, %mul3A_252, %select_n3A_222 : vector<3200x128xi1>, vector<3200x128xbf16>
    %slice3A_260 = vector.extract_strided_slice %get3A_1 {offsets = [0, 80], sizes = [3200, 16], strides = [1, 1]} : vector<3200x128xbf16> to vector<3200x16xbf16>
    %slice3A_261 = vector.extract_strided_slice %convert_element_type3A {offsets = [0, 80], sizes = [3200, 16], strides = [1, 1]} : vector<3200x128xbf16> to vector<3200x16xbf16>
    %concatenate3A_262 = tpu.concatenate %slice3A_260, %slice3A_261, %mul3A_252 in 1 : vector<3200x16xbf16>, vector<3200x16xbf16>, vector<3200x128xbf16> -> vector<3200x160xbf16>
    %dot_general3A_263 = arith.constant dense<0.000000e+00> : vector<3200x512xf32>
    %dot_general3A_264 = tpu.matmul %concatenate3A_262, %get3A_68, %dot_general3A_263 {dimension_numbers = #tpu.dot_dimension_numbers<[1], [0], [0], [1], [0, 0, 1, 1], [], []>, transpose_lhs_hint = false} : vector<3200x160xbf16>, vector<160x512xbf16>, vector<3200x512xf32> -> vector<3200x512xf32>
    %convert_element_type3A_265 = arith.truncf %dot_general3A_264 : vector<3200x512xf32> to vector<3200x512xbf16>
    %add3A_266 = vector.broadcast %get3A_71 : vector<1x512xbf16> to vector<3200x512xbf16>
    %add3A_267 = arith.addf %convert_element_type3A_265, %add3A_266 : vector<3200x512xbf16>
    %tanh3A_268 = math.tanh %add3A_267 : vector<3200x512xbf16>
    %slice3A_269 = vector.extract_strided_slice %tanh3A_268 {offsets = [0, 0], sizes = [3200, 128], strides = [1, 1]} : vector<3200x512xbf16> to vector<3200x128xbf16>
    %slice3A_270 = vector.extract_strided_slice %tanh3A_268 {offsets = [0, 128], sizes = [3200, 128], strides = [1, 1]} : vector<3200x512xbf16> to vector<3200x128xbf16>
    %slice3A_271 = vector.extract_strided_slice %tanh3A_268 {offsets = [0, 256], sizes = [3200, 128], strides = [1, 1]} : vector<3200x512xbf16> to vector<3200x128xbf16>
    %slice3A_272 = vector.extract_strided_slice %tanh3A_268 {offsets = [0, 384], sizes = [3200, 128], strides = [1, 1]} : vector<3200x512xbf16> to vector<3200x128xbf16>
    %add3A_273 = arith.constant 1.000000e+00 : bf16
    %add3A_274 = vector.broadcast %add3A_273 : bf16 to vector<3200x128xbf16>
    %add3A_275 = arith.addf %slice3A_270, %add3A_274 : vector<3200x128xbf16>
    %mul3A_276 = arith.mulf %mul3A_247, %add3A_275 : vector<3200x128xbf16>
    %add3A_277 = arith.constant 1.000000e+00 : bf16
    %add3A_278 = vector.broadcast %add3A_277 : bf16 to vector<3200x128xbf16>
    %add3A_279 = arith.addf %slice3A_269, %add3A_278 : vector<3200x128xbf16>
    %mul3A_280 = arith.mulf %slice3A_271, %add3A_279 : vector<3200x128xbf16>
    %add3A_281 = arith.addf %mul3A_276, %mul3A_280 : vector<3200x128xbf16>
    %mul3A_282 = arith.constant 5.000000e-01 : bf16
    %mul3A_283 = vector.broadcast %mul3A_282 : bf16 to vector<3200x128xbf16>
    %mul3A_284 = arith.mulf %mul3A_283, %add3A_281 : vector<3200x128xbf16>
    %add3A_285 = arith.constant 1.000000e+00 : bf16
    %add3A_286 = vector.broadcast %add3A_285 : bf16 to vector<3200x128xbf16>
    %add3A_287 = arith.addf %slice3A_272, %add3A_286 : vector<3200x128xbf16>
    %tanh3A_288 = math.tanh %mul3A_284 : vector<3200x128xbf16>
    %mul3A_289 = arith.mulf %add3A_287, %tanh3A_288 : vector<3200x128xbf16>
    %slice3A_290 = vector.extract_strided_slice %slice3A_8 {offsets = [0, 5], sizes = [3200, 1], strides = [1, 1]} : vector<3200x8xf32> to vector<3200x1xf32>
    %gt3A_291 = arith.constant 0.000000e+00 : f32
    %gt3A_292 = vector.broadcast %gt3A_291 : f32 to vector<3200x1xf32>
    %gt3A_293 = arith.cmpf ogt, %slice3A_290, %gt3A_292 : vector<3200x1xf32>
    %broadcast_in_dim3A_294 = vector.shape_cast %gt3A_293 : vector<3200x1xi1> to vector<3200x1xi1>
    %broadcast_in_dim3A_295 = vector.broadcast %broadcast_in_dim3A_294 : vector<3200x1xi1> to vector<3200x128xi1>
    %select_n3A_296 = arith.select %broadcast_in_dim3A_295, %mul3A_289, %select_n3A_259 : vector<3200x128xi1>, vector<3200x128xbf16>
    %slice3A_297 = vector.extract_strided_slice %get3A_1 {offsets = [0, 96], sizes = [3200, 16], strides = [1, 1]} : vector<3200x128xbf16> to vector<3200x16xbf16>
    %slice3A_298 = vector.extract_strided_slice %convert_element_type3A {offsets = [0, 96], sizes = [3200, 16], strides = [1, 1]} : vector<3200x128xbf16> to vector<3200x16xbf16>
    %concatenate3A_299 = tpu.concatenate %slice3A_297, %slice3A_298, %mul3A_289 in 1 : vector<3200x16xbf16>, vector<3200x16xbf16>, vector<3200x128xbf16> -> vector<3200x160xbf16>
    %dot_general3A_300 = arith.constant dense<0.000000e+00> : vector<3200x512xf32>
    %dot_general3A_301 = tpu.matmul %concatenate3A_299, %get3A_68, %dot_general3A_300 {dimension_numbers = #tpu.dot_dimension_numbers<[1], [0], [0], [1], [0, 0, 1, 1], [], []>, transpose_lhs_hint = false} : vector<3200x160xbf16>, vector<160x512xbf16>, vector<3200x512xf32> -> vector<3200x512xf32>
    %convert_element_type3A_302 = arith.truncf %dot_general3A_301 : vector<3200x512xf32> to vector<3200x512xbf16>
    %add3A_303 = vector.broadcast %get3A_71 : vector<1x512xbf16> to vector<3200x512xbf16>
    %add3A_304 = arith.addf %convert_element_type3A_302, %add3A_303 : vector<3200x512xbf16>
    %tanh3A_305 = math.tanh %add3A_304 : vector<3200x512xbf16>
    %slice3A_306 = vector.extract_strided_slice %tanh3A_305 {offsets = [0, 0], sizes = [3200, 128], strides = [1, 1]} : vector<3200x512xbf16> to vector<3200x128xbf16>
    %slice3A_307 = vector.extract_strided_slice %tanh3A_305 {offsets = [0, 128], sizes = [3200, 128], strides = [1, 1]} : vector<3200x512xbf16> to vector<3200x128xbf16>
    %slice3A_308 = vector.extract_strided_slice %tanh3A_305 {offsets = [0, 256], sizes = [3200, 128], strides = [1, 1]} : vector<3200x512xbf16> to vector<3200x128xbf16>
    %slice3A_309 = vector.extract_strided_slice %tanh3A_305 {offsets = [0, 384], sizes = [3200, 128], strides = [1, 1]} : vector<3200x512xbf16> to vector<3200x128xbf16>
    %add3A_310 = arith.constant 1.000000e+00 : bf16
    %add3A_311 = vector.broadcast %add3A_310 : bf16 to vector<3200x128xbf16>
    %add3A_312 = arith.addf %slice3A_307, %add3A_311 : vector<3200x128xbf16>
    %mul3A_313 = arith.mulf %mul3A_284, %add3A_312 : vector<3200x128xbf16>
    %add3A_314 = arith.constant 1.000000e+00 : bf16
    %add3A_315 = vector.broadcast %add3A_314 : bf16 to vector<3200x128xbf16>
    %add3A_316 = arith.addf %slice3A_306, %add3A_315 : vector<3200x128xbf16>
    %mul3A_317 = arith.mulf %slice3A_308, %add3A_316 : vector<3200x128xbf16>
    %add3A_318 = arith.addf %mul3A_313, %mul3A_317 : vector<3200x128xbf16>
    %mul3A_319 = arith.constant 5.000000e-01 : bf16
    %mul3A_320 = vector.broadcast %mul3A_319 : bf16 to vector<3200x128xbf16>
    %mul3A_321 = arith.mulf %mul3A_320, %add3A_318 : vector<3200x128xbf16>
    %add3A_322 = arith.constant 1.000000e+00 : bf16
    %add3A_323 = vector.broadcast %add3A_322 : bf16 to vector<3200x128xbf16>
    %add3A_324 = arith.addf %slice3A_309, %add3A_323 : vector<3200x128xbf16>
    %tanh3A_325 = math.tanh %mul3A_321 : vector<3200x128xbf16>
    %mul3A_326 = arith.mulf %add3A_324, %tanh3A_325 : vector<3200x128xbf16>
    %slice3A_327 = vector.extract_strided_slice %slice3A_8 {offsets = [0, 6], sizes = [3200, 1], strides = [1, 1]} : vector<3200x8xf32> to vector<3200x1xf32>
    %gt3A_328 = arith.constant 0.000000e+00 : f32
    %gt3A_329 = vector.broadcast %gt3A_328 : f32 to vector<3200x1xf32>
    %gt3A_330 = arith.cmpf ogt, %slice3A_327, %gt3A_329 : vector<3200x1xf32>
    %broadcast_in_dim3A_331 = vector.shape_cast %gt3A_330 : vector<3200x1xi1> to vector<3200x1xi1>
    %broadcast_in_dim3A_332 = vector.broadcast %broadcast_in_dim3A_331 : vector<3200x1xi1> to vector<3200x128xi1>
    %select_n3A_333 = arith.select %broadcast_in_dim3A_332, %mul3A_326, %select_n3A_296 : vector<3200x128xi1>, vector<3200x128xbf16>
    %slice3A_334 = vector.extract_strided_slice %get3A_1 {offsets = [0, 112], sizes = [3200, 16], strides = [1, 1]} : vector<3200x128xbf16> to vector<3200x16xbf16>
    %slice3A_335 = vector.extract_strided_slice %convert_element_type3A {offsets = [0, 112], sizes = [3200, 16], strides = [1, 1]} : vector<3200x128xbf16> to vector<3200x16xbf16>
    %concatenate3A_336 = tpu.concatenate %slice3A_334, %slice3A_335, %mul3A_326 in 1 : vector<3200x16xbf16>, vector<3200x16xbf16>, vector<3200x128xbf16> -> vector<3200x160xbf16>
    %dot_general3A_337 = arith.constant dense<0.000000e+00> : vector<3200x512xf32>
    %dot_general3A_338 = tpu.matmul %concatenate3A_336, %get3A_68, %dot_general3A_337 {dimension_numbers = #tpu.dot_dimension_numbers<[1], [0], [0], [1], [0, 0, 1, 1], [], []>, transpose_lhs_hint = false} : vector<3200x160xbf16>, vector<160x512xbf16>, vector<3200x512xf32> -> vector<3200x512xf32>
    %convert_element_type3A_339 = arith.truncf %dot_general3A_338 : vector<3200x512xf32> to vector<3200x512xbf16>
    %add3A_340 = vector.broadcast %get3A_71 : vector<1x512xbf16> to vector<3200x512xbf16>
    %add3A_341 = arith.addf %convert_element_type3A_339, %add3A_340 : vector<3200x512xbf16>
    %tanh3A_342 = math.tanh %add3A_341 : vector<3200x512xbf16>
    %slice3A_343 = vector.extract_strided_slice %tanh3A_342 {offsets = [0, 0], sizes = [3200, 128], strides = [1, 1]} : vector<3200x512xbf16> to vector<3200x128xbf16>
    %slice3A_344 = vector.extract_strided_slice %tanh3A_342 {offsets = [0, 128], sizes = [3200, 128], strides = [1, 1]} : vector<3200x512xbf16> to vector<3200x128xbf16>
    %slice3A_345 = vector.extract_strided_slice %tanh3A_342 {offsets = [0, 256], sizes = [3200, 128], strides = [1, 1]} : vector<3200x512xbf16> to vector<3200x128xbf16>
    %slice3A_346 = vector.extract_strided_slice %tanh3A_342 {offsets = [0, 384], sizes = [3200, 128], strides = [1, 1]} : vector<3200x512xbf16> to vector<3200x128xbf16>
    %add3A_347 = arith.constant 1.000000e+00 : bf16
    %add3A_348 = vector.broadcast %add3A_347 : bf16 to vector<3200x128xbf16>
    %add3A_349 = arith.addf %slice3A_344, %add3A_348 : vector<3200x128xbf16>
    %mul3A_350 = arith.mulf %mul3A_321, %add3A_349 : vector<3200x128xbf16>
    %add3A_351 = arith.constant 1.000000e+00 : bf16
    %add3A_352 = vector.broadcast %add3A_351 : bf16 to vector<3200x128xbf16>
    %add3A_353 = arith.addf %slice3A_343, %add3A_352 : vector<3200x128xbf16>
    %mul3A_354 = arith.mulf %slice3A_345, %add3A_353 : vector<3200x128xbf16>
    %add3A_355 = arith.addf %mul3A_350, %mul3A_354 : vector<3200x128xbf16>
    %mul3A_356 = arith.constant 5.000000e-01 : bf16
    %mul3A_357 = vector.broadcast %mul3A_356 : bf16 to vector<3200x128xbf16>
    %mul3A_358 = arith.mulf %mul3A_357, %add3A_355 : vector<3200x128xbf16>
    %add3A_359 = arith.constant 1.000000e+00 : bf16
    %add3A_360 = vector.broadcast %add3A_359 : bf16 to vector<3200x128xbf16>
    %add3A_361 = arith.addf %slice3A_346, %add3A_360 : vector<3200x128xbf16>
    %tanh3A_362 = math.tanh %mul3A_358 : vector<3200x128xbf16>
    %mul3A_363 = arith.mulf %add3A_361, %tanh3A_362 : vector<3200x128xbf16>
    %slice3A_364 = vector.extract_strided_slice %slice3A_8 {offsets = [0, 7], sizes = [3200, 1], strides = [1, 1]} : vector<3200x8xf32> to vector<3200x1xf32>
    %gt3A_365 = arith.constant 0.000000e+00 : f32
    %gt3A_366 = vector.broadcast %gt3A_365 : f32 to vector<3200x1xf32>
    %gt3A_367 = arith.cmpf ogt, %slice3A_364, %gt3A_366 : vector<3200x1xf32>
    %broadcast_in_dim3A_368 = vector.shape_cast %gt3A_367 : vector<3200x1xi1> to vector<3200x1xi1>
    %broadcast_in_dim3A_369 = vector.broadcast %broadcast_in_dim3A_368 : vector<3200x1xi1> to vector<3200x128xi1>
    %select_n3A_370 = arith.select %broadcast_in_dim3A_369, %mul3A_363, %select_n3A_333 : vector<3200x128xi1>, vector<3200x128xbf16>
    %slice3A_371 = vector.extract_strided_slice %select_n3A_370 {offsets = [0, 0], sizes = [3200, 64], strides = [1, 1]} : vector<3200x128xbf16> to vector<3200x64xbf16>
    %slice3A_372 = vector.extract_strided_slice %select_n3A_370 {offsets = [0, 64], sizes = [3200, 64], strides = [1, 1]} : vector<3200x128xbf16> to vector<3200x64xbf16>
    %get3A_373 = arith.constant 0 : index
    %get3A_374 = arith.constant 0 : index
    %get3A_375 = vector.load %arg12[%get3A_373, %get3A_374] : memref<64x1xbf16, #tpu.memory_space<vmem>>, vector<64x1xbf16>
    %dot_general3A_376 = arith.constant dense<0.000000e+00> : vector<3200x1xf32>
    %dot_general3A_377 = tpu.matmul %slice3A_372, %get3A_375, %dot_general3A_376 {dimension_numbers = #tpu.dot_dimension_numbers<[1], [0], [0], [1], [0, 0, 1, 1], [], []>, transpose_lhs_hint = false} : vector<3200x64xbf16>, vector<64x1xbf16>, vector<3200x1xf32> -> vector<3200x1xf32>
    %ge3A = arith.constant 0.000000e+00 : f32
    %ge3A_378 = vector.broadcast %ge3A : f32 to vector<3200x1xf32>
    %ge3A_379 = arith.cmpf oge, %dot_general3A_377, %ge3A_378 : vector<3200x1xf32>
    %mul3A_380 = arith.constant 0.00999999977 : f32
    %mul3A_381 = vector.broadcast %mul3A_380 : f32 to vector<3200x1xf32>
    %mul3A_382 = arith.mulf %mul3A_381, %dot_general3A_377 : vector<3200x1xf32>
    %select_n3A_383 = arith.select %ge3A_379, %dot_general3A_377, %mul3A_382 : vector<3200x1xi1>, vector<3200x1xf32>
    %get3A_384 = arith.constant 0 : index
    %get3A_385 = arith.constant 0 : index
    %get3A_386 = vector.load %arg3[%get3A_384, %get3A_385] : memref<3200x128xf32, #tpu.memory_space<vmem>>, vector<3200x128xf32>
    %get3A_387 = arith.constant 0 : index
    %get3A_388 = arith.constant 0 : index
    %get3A_389 = vector.load %arg13[%get3A_387, %get3A_388] : memref<128x64xf32, #tpu.memory_space<vmem>>, vector<128x64xf32>
    %dot_general3A_390 = arith.constant dense<0.000000e+00> : vector<3200x64xf32>
    %dot_general3A_391 = tpu.matmul %get3A_386, %get3A_389, %dot_general3A_390 {dimension_numbers = #tpu.dot_dimension_numbers<[1], [0], [0], [1], [0, 0, 1, 1], [], []>, transpose_lhs_hint = false} : vector<3200x128xf32>, vector<128x64xf32>, vector<3200x64xf32> -> vector<3200x64xf32>
    %get3A_392 = arith.constant 0 : index
    %get3A_393 = arith.constant 0 : index
    %get3A_394 = vector.load %arg14[%get3A_392, %get3A_393] : memref<64x64xbf16, #tpu.memory_space<vmem>>, vector<64x64xbf16>
    %dot_general3A_395 = arith.constant dense<0.000000e+00> : vector<3200x64xf32>
    %dot_general3A_396 = tpu.matmul %slice3A_371, %get3A_394, %dot_general3A_395 {dimension_numbers = #tpu.dot_dimension_numbers<[1], [0], [0], [1], [0, 0, 1, 1], [], []>, transpose_lhs_hint = false} : vector<3200x64xbf16>, vector<64x64xbf16>, vector<3200x64xf32> -> vector<3200x64xf32>
    %add3A_397 = arith.addf %dot_general3A_391, %dot_general3A_396 : vector<3200x64xf32>
    %get3A_398 = arith.constant 0 : index
    %get3A_399 = arith.constant 0 : index
    %get3A_400 = vector.load %arg15[%get3A_398, %get3A_399] : memref<1x64xf32, #tpu.memory_space<vmem>>, vector<1x64xf32>
    %add3A_401 = vector.broadcast %get3A_400 : vector<1x64xf32> to vector<3200x64xf32>
    %add3A_402 = arith.addf %add3A_397, %add3A_401 : vector<3200x64xf32>
    %max3A = arith.constant 0.000000e+00 : f32
    %max3A_403 = vector.broadcast %max3A : f32 to vector<3200x64xf32>
    %max3A_404 = arith.maximumf %add3A_402, %max3A_403 : vector<3200x64xf32>
    %get3A_405 = arith.constant 0 : index
    %get3A_406 = arith.constant 0 : index
    %get3A_407 = vector.load %arg9[%get3A_405, %get3A_406] : memref<3200x16xf32, #tpu.memory_space<vmem>>, vector<3200x16xf32>
    %get3A_408 = arith.constant 0 : index
    %get3A_409 = arith.constant 0 : index
    %get3A_410 = vector.load %arg10[%get3A_408, %get3A_409] : memref<200x3200xf32, #tpu.memory_space<vmem>>, vector<200x3200xf32>
    %get3A_411 = arith.constant 0 : index
    %get3A_412 = arith.constant 0 : index
    %get3A_413 = vector.load %arg11[%get3A_411, %get3A_412] : memref<3200x200xf32, #tpu.memory_space<vmem>>, vector<3200x200xf32>
    %mul3A_414 = vector.broadcast %select_n3A_383 : vector<3200x1xf32> to vector<3200x16xf32>
    %mul3A_415 = arith.mulf %mul3A_414, %get3A_407 : vector<3200x16xf32>
    %dot_general3A_416 = arith.constant dense<0.000000e+00> : vector<200x16xf32>
    %dot_general3A_417 = tpu.matmul %get3A_410, %mul3A_415, %dot_general3A_416 {dimension_numbers = #tpu.dot_dimension_numbers<[1], [0], [0], [1], [0, 0, 1, 1], [], []>, transpose_lhs_hint = false} : vector<200x3200xf32>, vector<3200x16xf32>, vector<200x16xf32> -> vector<200x16xf32>
    %reduce_max3A = arith.constant dense<0xFF800000> : vector<200xf32>
    %reduce_max3A_418 = vector.multi_reduction <maximumf>, %dot_general3A_417, %reduce_max3A [1] : vector<200x16xf32> to vector<200xf32>
    %broadcast_in_dim3A_419 = vector.shape_cast %reduce_max3A_418 : vector<200xf32> to vector<200x1xf32>
    %sub3A_420 = vector.broadcast %broadcast_in_dim3A_419 : vector<200x1xf32> to vector<200x16xf32>
    %sub3A_421 = arith.subf %dot_general3A_417, %sub3A_420 : vector<200x16xf32>
    %broadcast_in_dim3A_422 = vector.shape_cast %sub3A_421 : vector<200x16xf32> to vector<200x1x16xf32>
    %broadcast_in_dim3A_423 = vector.shape_cast %sub3A_421 : vector<200x16xf32> to vector<200x16x1xf32>
    %ge3A_424 = vector.broadcast %broadcast_in_dim3A_422 : vector<200x1x16xf32> to vector<200x16x16xf32>
    %ge3A_425 = vector.broadcast %broadcast_in_dim3A_423 : vector<200x16x1xf32> to vector<200x16x16xf32>
    %ge3A_426 = arith.cmpf oge, %ge3A_424, %ge3A_425 : vector<200x16x16xf32>
    %convert_element_type3A_427 = arith.extui %ge3A_426 : vector<200x16x16xi1> to vector<200x16x16xi32>
    %convert_element_type3A_428 = arith.sitofp %convert_element_type3A_427 : vector<200x16x16xi32> to vector<200x16x16xf32>
    %reduce_sum3A = arith.constant dense<0.000000e+00> : vector<200x16xf32>
    %reduce_sum3A_429 = vector.multi_reduction <add>, %convert_element_type3A_428, %reduce_sum3A [2] : vector<200x16x16xf32> to vector<200x16xf32>
    %broadcast_in_dim3A_430 = vector.shape_cast %sub3A_421 : vector<200x16xf32> to vector<200x1x16xf32>
    %mul3A_431 = vector.broadcast %broadcast_in_dim3A_430 : vector<200x1x16xf32> to vector<200x16x16xf32>
    %mul3A_432 = arith.mulf %convert_element_type3A_428, %mul3A_431 : vector<200x16x16xf32>
    %reduce_sum3A_433 = arith.constant dense<0.000000e+00> : vector<200x16xf32>
    %reduce_sum3A_434 = vector.multi_reduction <add>, %mul3A_432, %reduce_sum3A_433 [2] : vector<200x16x16xf32> to vector<200x16xf32>
    %mul3A_435 = arith.mulf %reduce_sum3A_429, %sub3A_421 : vector<200x16xf32>
    %add3A_436 = arith.constant 1.000000e+00 : f32
    %add3A_437 = vector.broadcast %add3A_436 : f32 to vector<200x16xf32>
    %add3A_438 = arith.addf %add3A_437, %mul3A_435 : vector<200x16xf32>
    %gt3A_439 = arith.cmpf ogt, %add3A_438, %reduce_sum3A_434 : vector<200x16xf32>
    %sub3A_440 = arith.constant 1.000000e+00 : f32
    %sub3A_441 = vector.broadcast %sub3A_440 : f32 to vector<200x16xf32>
    %sub3A_442 = arith.subf %reduce_sum3A_434, %sub3A_441 : vector<200x16xf32>
    %div3A = arith.divf %sub3A_442, %reduce_sum3A_429 : vector<200x16xf32>
    %jit3A_443 = arith.constant -1.000000e+30 : f32
    %broadcast_in_dim3A_444 = vector.broadcast %jit3A_443 : f32 to vector<200x16xf32>
    %select_n3A_445 = arith.select %gt3A_439, %div3A, %broadcast_in_dim3A_444 : vector<200x16xi1>, vector<200x16xf32>
    %reduce_max3A_446 = arith.constant dense<0xFF800000> : vector<200xf32>
    %reduce_max3A_447 = vector.multi_reduction <maximumf>, %select_n3A_445, %reduce_max3A_446 [1] : vector<200x16xf32> to vector<200xf32>
    %broadcast_in_dim3A_448 = vector.shape_cast %reduce_max3A_447 : vector<200xf32> to vector<200x1xf32>
    %sub3A_449 = vector.broadcast %broadcast_in_dim3A_448 : vector<200x1xf32> to vector<200x16xf32>
    %sub3A_450 = arith.subf %sub3A_421, %sub3A_449 : vector<200x16xf32>
    %max3A_451 = arith.constant 0.000000e+00 : f32
    %max3A_452 = vector.broadcast %max3A_451 : f32 to vector<200x16xf32>
    %max3A_453 = arith.maximumf %sub3A_450, %max3A_452 : vector<200x16xf32>
    %dot_general3A_454 = arith.constant dense<0.000000e+00> : vector<3200x16xf32>
    %dot_general3A_455 = tpu.matmul %get3A_413, %max3A_453, %dot_general3A_454 {dimension_numbers = #tpu.dot_dimension_numbers<[1], [0], [0], [1], [0, 0, 1, 1], [], []>, transpose_lhs_hint = false} : vector<3200x200xf32>, vector<200x16xf32>, vector<3200x16xf32> -> vector<3200x16xf32>
    %mul3A_456 = arith.mulf %dot_general3A_455, %get3A_407 : vector<3200x16xf32>
    %reduce_sum3A_457 = arith.constant dense<0.000000e+00> : vector<3200xf32>
    %reduce_sum3A_458 = vector.multi_reduction <add>, %mul3A_456, %reduce_sum3A_457 [1] : vector<3200x16xf32> to vector<3200xf32>
    %broadcast_in_dim3A_459 = vector.shape_cast %reduce_sum3A_458 : vector<3200xf32> to vector<3200x1xf32>
    %mul3A_460 = vector.broadcast %broadcast_in_dim3A_459 : vector<3200x1xf32> to vector<3200x64xf32>
    %mul3A_461 = arith.mulf %mul3A_460, %max3A_404 : vector<3200x64xf32>
    %dot_general3A_462 = arith.constant dense<0.000000e+00> : vector<200x64xf32>
    %dot_general3A_463 = tpu.matmul %get3A_410, %mul3A_461, %dot_general3A_462 {dimension_numbers = #tpu.dot_dimension_numbers<[1], [0], [0], [1], [0, 0, 1, 1], [], []>, transpose_lhs_hint = false} : vector<200x3200xf32>, vector<3200x64xf32>, vector<200x64xf32> -> vector<200x64xf32>
    %get3A_464 = arith.constant 0 : index
    %get3A_465 = arith.constant 0 : index
    %get3A_466 = vector.load %arg4[%get3A_464, %get3A_465] : memref<200x128xf32, #tpu.memory_space<vmem>>, vector<200x128xf32>
    %get3A_467 = arith.constant 0 : index
    %get3A_468 = arith.constant 0 : index
    %get3A_469 = vector.load %arg16[%get3A_467, %get3A_468] : memref<128x64xf32, #tpu.memory_space<vmem>>, vector<128x64xf32>
    %dot_general3A_470 = arith.constant dense<0.000000e+00> : vector<200x64xf32>
    %dot_general3A_471 = tpu.matmul %get3A_466, %get3A_469, %dot_general3A_470 {dimension_numbers = #tpu.dot_dimension_numbers<[1], [0], [0], [1], [0, 0, 1, 1], [], []>, transpose_lhs_hint = false} : vector<200x128xf32>, vector<128x64xf32>, vector<200x64xf32> -> vector<200x64xf32>
    %get3A_472 = arith.constant 0 : index
    %get3A_473 = arith.constant 0 : index
    %get3A_474 = vector.load %arg17[%get3A_472, %get3A_473] : memref<64x64xf32, #tpu.memory_space<vmem>>, vector<64x64xf32>
    %dot_general3A_475 = arith.constant dense<0.000000e+00> : vector<200x64xf32>
    %dot_general3A_476 = tpu.matmul %dot_general3A_463, %get3A_474, %dot_general3A_475 {dimension_numbers = #tpu.dot_dimension_numbers<[1], [0], [0], [1], [0, 0, 1, 1], [], []>, transpose_lhs_hint = false} : vector<200x64xf32>, vector<64x64xf32>, vector<200x64xf32> -> vector<200x64xf32>
    %add3A_477 = arith.addf %dot_general3A_471, %dot_general3A_476 : vector<200x64xf32>
    %get3A_478 = arith.constant 0 : index
    %get3A_479 = arith.constant 0 : index
    %get3A_480 = vector.load %arg18[%get3A_478, %get3A_479] : memref<1x64xf32, #tpu.memory_space<vmem>>, vector<1x64xf32>
    %add3A_481 = vector.broadcast %get3A_480 : vector<1x64xf32> to vector<200x64xf32>
    %add3A_482 = arith.addf %add3A_477, %add3A_481 : vector<200x64xf32>
    %max3A_483 = arith.constant 0.000000e+00 : f32
    %max3A_484 = vector.broadcast %max3A_483 : f32 to vector<200x64xf32>
    %max3A_485 = arith.maximumf %add3A_482, %max3A_484 : vector<200x64xf32>
    %swap3A = arith.constant 0 : index
    %swap3A_486 = arith.constant 0 : index
    %swap3A_487 = vector.load %arg19[%swap3A, %swap3A_486] : memref<200x64xf32, #tpu.memory_space<vmem>>, vector<200x64xf32>
    tpu.vector_store %arg19[%swap3A, %swap3A_486], %max3A_485 {strides = array<i32>} : memref<200x64xf32, #tpu.memory_space<vmem>>, vector<200x64xf32>,
    return
  }
  func.func @transform_0(%arg0: i32) -> (i32, i32) {
    %add3A = arith.constant 0 : i32
    %add3A_0 = arith.addi %arg0, %add3A : i32
    %c0_i32 = arith.constant 0 : i32
    %c0_i32_1 = arith.constant 0 : i32
    return %add3A_0, %c0_i32 : i32, i32
  }
  func.func @transform_1(%arg0: i32) -> (i32, i32) {
    %add3A = arith.constant 0 : i32
    %add3A_0 = arith.addi %arg0, %add3A : i32
    %c0_i32 = arith.constant 0 : i32
    %c0_i32_1 = arith.constant 0 : i32
    return %add3A_0, %c0_i32 : i32, i32
  }
  func.func @transform_2(%arg0: i32) -> (i32, i32) {
    %c0_i32 = arith.constant 0 : i32
    %c0_i32_0 = arith.constant 0 : i32
    return %arg0, %c0_i32 : i32, i32
  }
  func.func @transform_3(%arg0: i32) -> (i32, i32) {
    %add3A = arith.constant 0 : i32
    %add3A_0 = arith.addi %arg0, %add3A : i32
    %c0_i32 = arith.constant 0 : i32
    %c0_i32_1 = arith.constant 0 : i32
    return %add3A_0, %c0_i32 : i32, i32
  }
  func.func @transform_4(%arg0: i32) -> (i32, i32) {
    %c0_i32 = arith.constant 0 : i32
    %c0_i32_0 = arith.constant 0 : i32
    %c0_i32_1 = arith.constant 0 : i32
    return %c0_i32, %c0_i32_0 : i32, i32
  }
  func.func @transform_5(%arg0: i32) -> (i32, i32) {
    %c0_i32 = arith.constant 0 : i32
    %c0_i32_0 = arith.constant 0 : i32
    %c0_i32_1 = arith.constant 0 : i32
    return %c0_i32, %c0_i32_0 : i32, i32
  }
  func.func @transform_6(%arg0: i32) -> (i32, i32) {
    %c0_i32 = arith.constant 0 : i32
    %c0_i32_0 = arith.constant 0 : i32
    %c0_i32_1 = arith.constant 0 : i32
    return %c0_i32, %c0_i32_0 : i32, i32
  }
  func.func @transform_7(%arg0: i32) -> (i32, i32) {
    %c0_i32 = arith.constant 0 : i32
    %c0_i32_0 = arith.constant 0 : i32
    %c0_i32_1 = arith.constant 0 : i32
    return %c0_i32, %c0_i32_0 : i32, i32
  }
  func.func @transform_8(%arg0: i32) -> (i32, i32) {
    %c0_i32 = arith.constant 0 : i32
    %c0_i32_0 = arith.constant 0 : i32
    %c0_i32_1 = arith.constant 0 : i32
    return %c0_i32, %c0_i32_0 : i32, i32
  }
  func.func @transform_9(%arg0: i32) -> (i32, i32) {
    %c0_i32 = arith.constant 0 : i32
    %c0_i32_0 = arith.constant 0 : i32
    %c0_i32_1 = arith.constant 0 : i32
    return %c0_i32, %c0_i32_0 : i32, i32
  }
  func.func @transform_10(%arg0: i32) -> (i32, i32) {
    %c0_i32 = arith.constant 0 : i32
    %c0_i32_0 = arith.constant 0 : i32
    %c0_i32_1 = arith.constant 0 : i32
    return %c0_i32, %c0_i32_0 : i32, i32
  }
  func.func @transform_11(%arg0: i32) -> (i32, i32) {
    %c0_i32 = arith.constant 0 : i32
    %c0_i32_0 = arith.constant 0 : i32
    %c0_i32_1 = arith.constant 0 : i32
    return %c0_i32, %c0_i32_0 : i32, i32
  }
  func.func @transform_12(%arg0: i32) -> (i32, i32) {
    %c0_i32 = arith.constant 0 : i32
    %c0_i32_0 = arith.constant 0 : i32
    %c0_i32_1 = arith.constant 0 : i32
    return %c0_i32, %c0_i32_0 : i32, i32
  }
  func.func @transform_13(%arg0: i32) -> (i32, i32) {
    %c0_i32 = arith.constant 0 : i32
    %c0_i32_0 = arith.constant 0 : i32
    %c0_i32_1 = arith.constant 0 : i32
    return %c0_i32, %c0_i32_0 : i32, i32
  }
  func.func @transform_14(%arg0: i32) -> (i32, i32) {
    %c0_i32 = arith.constant 0 : i32
    %c0_i32_0 = arith.constant 0 : i32
    %c0_i32_1 = arith.constant 0 : i32
    return %c0_i32, %c0_i32_0 : i32, i32
  }
  func.func @transform_15(%arg0: i32) -> (i32, i32) {
    %c0_i32 = arith.constant 0 : i32
    %c0_i32_0 = arith.constant 0 : i32
    %c0_i32_1 = arith.constant 0 : i32
    return %c0_i32, %c0_i32_0 : i32, i32
  }
  func.func @transform_16(%arg0: i32) -> (i32, i32) {
    %c0_i32 = arith.constant 0 : i32
    %c0_i32_0 = arith.constant 0 : i32
    %c0_i32_1 = arith.constant 0 : i32
    return %c0_i32, %c0_i32_0 : i32, i32
  }
  func.func @transform_17(%arg0: i32) -> (i32, i32) {
    %c0_i32 = arith.constant 0 : i32
    %c0_i32_0 = arith.constant 0 : i32
    %c0_i32_1 = arith.constant 0 : i32
    return %c0_i32, %c0_i32_0 : i32, i32
  }
  func.func @transform_18(%arg0: i32) -> (i32, i32) {
    %c0_i32 = arith.constant 0 : i32
    %c0_i32_0 = arith.constant 0 : i32
    return %arg0, %c0_i32 : i32, i32
  }
}

</mosaic_0001>

<sc_bundles>
// kernel: kernel.4.cloned.1.call-start
scs
__scs_entry_jumppad:
0x0: {  	(pc) =	sbr.rel $0x88, $3  }
0x1: {  	(tag) =	ssettag $0x0;
	lr =	simm.s32 $0x1  }
0x2: {  	[smem:$0x3F8B] =	sst lr;
	_ =	strace $0xD0000000  }
0x3: {  	_ = 	snop  }
0x4: {  	_ = 	snop  }
0x5: {  	_ = 	snop  }
0x6: {  	_ = 	snop  }
0x7: {  	_ = 	snop  }
__scs_overlays_trampoline_lowered:
0x8: {  	[smem:$0x3F9A] =	sst s0  }
0x9: {  	[smem:$0x3F9B] =	sst s1  }
0xa: {  	[smem:$0x3F9C] =	sst s2  }
0xb: {  	[smem:$0x3F9D] =	sst s3  }
0xc: {  	[smem:$0x3F9E] =	sst s4  }
0xd: {  	[smem:$0x3F9F] =	sst s5  }
0xe: {  	[smem:$0x3FA0] =	sst s6  }
0xf: {  	[smem:$0x3FA1] =	sst s7  }
0x10: {  	[smem:$0x3FA2] =	sst s8  }
0x11: {  	[smem:$0x3FA3] =	sst s9;
	s0 =	simm.s32 @!p0 $0x0  }
0x12: {  	s1 =	sld [smem:$0x3F89];
	s0 =	simm.s32 @p0 $0x1  }
0x13: {  	[smem:$0x3FA4] =	sst s0;
	s0 =	simm.s32 @!p1 $0x0  }
0x14: {  	s2 =	sld [smem:$0x3F88];
	s0 =	simm.s32 @p1 $0x1  }
0x15: {  	[smem:$0x3FA5] =	sst s0;
	s0 =	simm.s32 @!p2 $0x0  }
0x16: {  	s3 =	sld [smem:$0x3FDB];
	s0 =	simm.s32 @p2 $0x1  }
0x17: {  	s4 =	simm.s32 $0x1BF5;
	[smem:$0x3FA7] =	sst s0  }
0x18: {  	s0 =	sld [smem:$0x3F8A];
	_ =	swait.ge [sflag:s4], $0x0  }
0x19: {  	s7 =	sld [smem:$0x3F8B]  }
0x1a: {  	s8 =	sadd.s32 $0xFFFFE003, lr  }
0x1b: {  	s9 =	sadd.s32 $0xFFFFFEF7, lr;
	s5 =	simm.s32 $0xFFFFFFFF;
	p2 =	slt.u32 s8, $0xFFFFF086  }
0x1c: {  	p1 =	slt.u32 s9, $0xF7A;
	s5 =	simm.s32 @!p2 $0x0  }
0x1d: {  	s5 =	simm.s32 @p1 $0x1;
	p0 =	seq.s32 s7, s2  }
0x1e: {  	s7 =	smul.u32 @!p0 $0xF7A, s2;
	p2 =	seq.s32 @!p0 s5, $0x0  }
0x1f: {  	s9 =	smul.u32 $0xF7A, s1;
	s8 =	simm.s32 @!p0 $0x1BF5;
	p2 =	por !p2, p0  }
0x20: {  	[sflag:s8] =	ssyncset.s32 @!p0 $0xFFFFF086;
	s6 =	sadd.s32 @!p0 s3, s7;
	s7 =	simm.s32 @!p0 $0x108  }
0x21: {  	s3 =	sadd.s32 s3, s9;
	s6 =	sadd.s32 @!p0 $0x88, s6;
	s7 =	simm.s32 @p2 $0x1082  }
0x22: {  	[simem:s7], [sflag:s8] =	dma.local @!p0 [hbm:s6], $0xF7A  }
0x23: {  	s9 =	sor.u32 $0xD0000000, s2;
	s6 =	simm.s32 $0x108;
	_ =	swait.ge @!p0 [sflag:s8], $0x0  }
0x24: {  	s3 =	sadd.s32 $0x88, s3;
	s6 =	simm.s32 @!p1 $0x1082;
	[sflag:s4] =	ssyncset.s32 $0xFFFFF086  }
0x25: {  	[simem:s6], [sflag:s4] =	dma.local [hbm:s3], $0xF7A  }
0x26: {  	[smem:$0x3F8B] =	sst s1;
	(tag) =	ssettag s2;
	_ =	strace s9  }
0x27: {  	s1 =	sld [smem:$0x3F9B]  }
0x28: {  	s2 =	sld [smem:$0x3F9C]  }
0x29: {  	s4 =	sld [smem:$0x3F9E]  }
0x2a: {  	p0 =	seq.s32 s5, $0x0;
	s5 =	sld [smem:$0x3F9F]  }
0x2b: {  	s6 =	sld [smem:$0x3FA0]  }
0x2c: {  	s7 =	sld [smem:$0x3FA1]  }
0x2d: {  	s3 =	simm.s32 $0x108;
	s8 =	sld [smem:$0x3FA2]  }
0x2e: {  	s3 =	simm.s32 @!p0 $0x1082;
	s9 =	sld [smem:$0x3FA3]  }
0x2f: {  	lr =	sadd.s32 s0, s3;
	s0 =	sld [smem:$0x3F9A]  }
0x30: {  	s3 =	sld [smem:$0x3F9D]  }
0x31: {  	[smem:$0x3FA6] =	sst s10  }
0x32: {  	s10 =	sld [smem:$0x3FA4];
	_ =	sdelay $0x3  }
0x33: {  	p0 =	seq.s32 s10, $0x1;
	s10 =	sld [smem:$0x3FA6];
	_ =	sdelay $0x3  }
0x34: {  	[smem:$0x3FA6] =	sst s10  }
0x35: {  	s10 =	sld [smem:$0x3FA5];
	_ =	sdelay $0x3  }
0x36: {  	p1 =	seq.s32 s10, $0x1;
	s10 =	sld [smem:$0x3FA6];
	_ =	sdelay $0x3  }
0x37: {  	[smem:$0x3FA6] =	sst s10  }
0x38: {  	s10 =	sld [smem:$0x3FA7]  }
0x39: {  	_ = 	snop;
	(pc) =	sbr.ind lr, $3  }
0x3a: {  	_ = 	snop  }
0x3b: {  	_ = 	snop  }
0x3c: {  	p2 =	seq.s32 s10, $0x1;
	s10 =	sld [smem:$0x3FA6]  }
0x3d: {  	_ =	shalt  }
0x3e: {  	_ =	shalt  }
0x3f: {  	_ =	shalt  }
0x40: {  	_ =	shalt  }
0x41: {  	_ =	shalt  }
0x42: {  	_ =	shalt  }
0x43: {  	_ =	shalt  }
0x44: {  	_ =	shalt  }
0x45: {  	_ =	shalt  }
0x46: {  	_ =	shalt  }
0x47: {  	_ =	shalt  }
0x48: {  	_ =	shalt  }
0x49: {  	_ =	shalt  }
0x4a: {  	_ =	shalt  }
0x4b: {  	_ =	shalt  }
0x4c: {  	_ =	shalt  }
0x4d: {  	_ =	shalt  }
0x4e: {  	_ =	shalt  }
0x4f: {  	_ =	shalt  }
0x50: {  	_ =	shalt  }
0x51: {  	_ =	shalt  }
0x52: {  	_ =	shalt  }
0x53: {  	_ =	shalt  }
0x54: {  	_ =	shalt  }
0x55: {  	_ =	shalt  }
0x56: {  	_ =	shalt  }
0x57: {  	_ =	shalt  }
0x58: {  	_ =	shalt  }
0x59: {  	_ =	shalt  }
0x5a: {  	_ =	shalt  }
0x5b: {  	_ =	shalt  }
0x5c: {  	_ =	shalt  }
0x5d: {  	_ =	shalt  }
0x5e: {  	_ =	shalt  }
0x5f: {  	_ =	shalt  }
0x60: {  	_ =	shalt  }
0x61: {  	_ =	shalt  }
0x62: {  	_ =	shalt  }
0x63: {  	_ =	shalt  }
0x64: {  	_ =	shalt  }
0x65: {  	_ =	shalt  }
0x66: {  	_ =	shalt  }
0x67: {  	_ =	shalt  }
0x68: {  	_ =	shalt  }
0x69: {  	_ =	shalt  }
0x6a: {  	_ =	shalt  }
0x6b: {  	_ =	shalt  }
0x6c: {  	_ =	shalt  }
0x6d: {  	_ =	shalt  }
0x6e: {  	_ =	shalt  }
0x6f: {  	_ =	shalt  }
0x70: {  	_ =	shalt  }
0x71: {  	_ =	shalt  }
0x72: {  	_ =	shalt  }
0x73: {  	_ =	shalt  }
0x74: {  	_ =	shalt  }
0x75: {  	_ =	shalt  }
0x76: {  	_ =	shalt  }
0x77: {  	_ =	shalt  }
0x78: {  	_ =	shalt  }
0x79: {  	_ =	shalt  }
0x7a: {  	_ =	shalt  }
0x7b: {  	_ =	shalt  }
0x7c: {  	_ =	shalt  }
0x7d: {  	_ =	shalt  }
0x7e: {  	_ =	shalt  }
0x7f: {  	_ =	shalt  }
0x80: {  	_ =	shalt  }
0x81: {  	_ =	shalt  }
0x82: {  	_ =	shalt  }
0x83: {  	_ =	shalt  }
0x84: {  	_ =	shalt  }
0x85: {  	_ =	shalt  }
0x86: {  	_ =	shalt  }
0x87: {  	_ =	shalt  }
.Lfunc_end0:
.L_simem_size_0:
called_computation_lowered:
.L_overlay_start_0:
0x88: {  	s2 =	sld [smem:$0x3FD9]  }
0x89: {  	s3 =	sld [smem:$0x3FFE];
	_ =	sdelay $0x1  }
0x8a: {  	s1 =	srdreg.scid  }
0x8b: {  	s0 =	sand.u32 $0x1, s1  }
0x8c: {  	s17 =	sshll.u32 s0, $0xA;
	s2 =	sadd.s32 s3, s2  }
0x8d: {  	s2 =	sadd.s32 s2, s17  }
0x8e: {  	[smem:$0x3FB2] =	sst s2  }
0x8f: {  	_ = 	snop  }
0x90: {  	s2 =	sld [smem:$0x3FC9]  }
0x91: {  	s18 =	sld [smem:$0x3FC8];
	(tm) =	ssettm $0x1  }
0x92: {  	s4 =	sld [smem:$0x3FFB];
	_ =	sdelay $0x3  }
0x93: {  	_ =	strace s4  }
0x94: {  	s4 =	sld [smem:$0x3FFC];
	_ =	sdelay $0x3  }
0x95: {  	_ =	strace s4  }
0x96: {  	s4 =	sld [smem:$0x3FFD];
	_ =	sdelay $0x3  }
0x97: {  	_ =	strace s4  }
0x98: {  	_ =	strace $0x8FFFFFFF  }
0x99: {  	s19 =	sld [smem:$0x3FDB];
	_ =	sdelay $0x1  }
0x9a: {  	s5 =	simm.s32 $_scs_section_size  }
0x9b: {  	s6 =	simm.s32 $_size__tile_overlayer_lowered;
	s7 =	simm.s32 $_tile_overlayer_lowered  }
0x9c: {  	s22 =	simm.s32 $0x1BFF;
	s21 =	sshll.u32 s7, $0x1;
	s4 =	sadd.s32 s5, s19  }
0x9d: {  	s8 =	simm.s32 $0x0;
	s20 =	sshll.u32 s6, $0x1;
	s6 =	sadd.s32 s21, s4  }
0x9e: {  	[timem:s8], [sflag:s22] =	dma.local [hbm:s6], s20  }
0x9f: {  	_ =	swait.ge [sflag:s22], s20  }
0xa0: {  	s5 =	ssub.s32 $0x0, s20;
	[sflag:s22] =	ssyncset.done $0x0  }
0xa1: {  	[sflag:s22] =	ssyncadd.s32 s5;
	_ =	sdelay $0x1  }
0xa2: {  	s23 =	simm.s32 $0x1B8B  }
0xa3: {  	_ =	swait.ge [sflag:s23], $0x1  }
0xa4: {  	[sflag:s23] =	ssyncset.done $0x0  }
0xa5: {  	s25 =	simm.s32 $0x1B8E;
	s24 =	sld [smem:$0x3FFE];
	[sflag:s23] =	ssyncadd.s32 $0xFFFFFFFF  }
0xa6: {  	s26 =	simm.s32 $execute0_lowered;
	[smem:$0x3FD2] =	sst s25  }
0xa7: {  	s6 =	sshll.u32 s26, $0x1;
	_ =	strace $0x80000046;
	[dreg:$0x1] =	wrdreg $0xFFFFFFFF  }
0xa8: {  	s28 =	simm.s32 $_size_execute0_lowered;
	s4 =	sadd.s32 s4, s6;
	[dreg:$0x0] =	wrdreg $0x0  }
0xa9: {  	s6 =	sshll.u32 s28, $0x1;
	[dreg:$0x2] =	wrdreg s4  }
0xaa: {  	[dreg:$0x3] =	wrdreg s6  }
0xab: {  	[dreg:$0x4] =	wrdreg $0xC0  }
0xac: {  	_ =	task [dreg:s8], $0x5FFFF  }
0xad: {  	[dreg:$0x1] =	wrdreg $0xFFFFFFFF  }
0xae: {  	[dreg:$0x0] =	wrdreg $0x60  }
0xaf: {  	[dreg:$0x2] =	wrdreg s2  }
0xb0: {  	[dreg:$0x3] =	wrdreg s18  }
0xb1: {  	[dreg:$0x4] =	wrdreg s24  }
0xb2: {  	[dreg:$0x5] =	wrdreg $0x9  }
0xb3: {  	_ =	task.clear_ibuf [dreg:s8], $0x6FFFF;
	_ =	strace $0x90000046  }
0xb4: {  	s29 =	simm.s32 $0x9;
	_ =	strace $0x80000048  }
0xb5: {  	_ =	swait.ge [sflag:s29], $0x1  }
0xb6: {  	[sflag:s29] =	ssyncadd.s32 $0xFFFFFFFF  }
0xb7: {  	_ =	strace $0x90000048  }
0xb8: {  	_ =	sfence  }
0xb9: {  	s30 =	sld [smem:$0x0];
	_ =	sdelay $0x2  }
0xba: {  	s31 =	sshll.u32 s1, $0xD;
	s1 =	sshrl.u32 s1, $0x2  }
0xbb: {  	s3 =	sand.u32 $0x4000, s31;
	s1 =	sadd.s32 s1, s30  }
0xbc: {  	s0 =	sor.u32 s3, s0;
	s1 =	sshll.u32 s1, $0x11  }
0xbd: {  	s0 =	sor.u32 s1, s0  }
0xbe: {  	s0 =	sadd.s32 $0x8F2B, s0  }
0xbf: {  	[sflag:s0] =	ssyncadd.remote.s32 $0x1  }
0xc0: {  	_ =	sfence.sel $0xFFFF  }
0xc1: {  	[dreg:$0x0] =	wrdreg $0xFFFFFFFF;
	(pc) =	sbr.abs _section_cstart, $3  }
0xc2: {  	[dreg:$0x1] =	wrdreg $0xFFFFFFFF  }
0xc3: {  	_ =	task.clear_ibuf [dreg:s8], $0x2FFFF;
	_ =	strace $0x9FFFFFFF  }
0xc4: {  	(tm) =	ssettm $0x7FFFFFFF  }
0xc5: {  	_ =	shalt  }
tec
execute0_lowered:
.L_overlay_start_1:
0x0: {  	(tag) =	ssettag $0x1  }
0x1: {  	s1 =	srdreg.scid;
	s0 =	stileid.u32  }
0x2: {  	s2 =	rddreg [dreg:$0x0];
	s17 =	sand.u32 $0x1, s1;
	s26 =	sshll.u32 s0, $0x1  }
0x3: {  	s16 =	rddreg [dreg:$0x1];
	s9 =	sor.u32 s17, s26  }
0x4: {  	s10 =	rddreg [dreg:$0x2];
	s18 =	smul.u32 $0x1388, s9  }
0x5: {  	s3 =	simm.s32 $0x0;
	s1 =	rddreg [dreg:$0x3]  }
0x6: {  	[smem:$0x7FF] =	sst s3;
	s4 =	sshrl.u32 s18, $0x3  }
0x7: {  	_ =	strace $0x80000047;
	s5 =	sadd.s32 s16, s4;
	s4 =	simm.s32 $0x2  }
0x8: {  	[tilespmem:s3], [sflag:$0x2] =	stream.linear.gather [hbm4b:s5+s3], $0x3E8, $0x38;
	[tilespmem:$0x1F800] =	vst v63  }
0x9: {  	_ =	swait.ge [sflag:s4], $0x3E8  }
0xa: {  	s6 =	simm.s32 $0x3E8;
	[sflag:s4] =	ssyncset.done $0x0  }
0xb: {  	s7 =	simm.s32 $0x400;
	s8 =	simm.s32 $0x1;
	[sflag:s4] =	ssyncadd.s32 $0xFFFFFC18  }
0xc: {  	[tilespmem:s7], [sflag:$0x1] =	stream.indirect.gather [hbm4b:s2+s6], $0x80, s3, s6, $0xb8;
	[tilespmem:$0x1F800] =	vst v63  }
0xd: {  	s9 =	smul.u32 $0x13880, s9;
	_ =	swait.ge [sflag:s8], $0x1F400  }
0xe: {  	s19 =	sadd.s32 $0x4200, s10;
	[sflag:s8] =	ssyncset.done $0x0  }
0xf: {  	s9 =	sadd.s32 s19, s9;
	[sflag:s8] =	ssyncadd.s32 $0xFFFE0C00  }
0x10: {  	[hbm4b:s9+s3] =	stream.linear.scatter [tilespmem:s7], [sflag:$0x2], $0x1F400, $0x38;
	[tilespmem:$0x1F800] =	vst v63  }
0x11: {  	s11 =	sadd.s32 $0x3E8, s18;
	_ =	swait.ge [sflag:s4], $0x1F400  }
0x12: {  	s28 =	sshrl.u32 s11, $0x3;
	[sflag:s4] =	ssyncset.done $0x0  }
0x13: {  	s10 =	sadd.s32 s16, s28;
	[sflag:s4] =	ssyncadd.s32 $0xFFFE0C00  }
0x14: {  	[tilespmem:s3], [sflag:$0x2] =	stream.linear.gather [hbm4b:s10+s3], $0x3E8, $0x38;
	[tilespmem:$0x1F800] =	vst v63  }
0x15: {  	_ =	swait.ge [sflag:s4], $0x3E8  }
0x16: {  	[sflag:s4] =	ssyncset.done $0x0  }
0x17: {  	[sflag:s4] =	ssyncadd.s32 $0xFFFFFC18  }
0x18: {  	[tilespmem:s7], [sflag:$0x1] =	stream.indirect.gather [hbm4b:s2+s6], $0x80, s3, s6, $0xb8;
	[tilespmem:$0x1F800] =	vst v63  }
0x19: {  	_ =	swait.ge [sflag:s8], $0x1F400  }
0x1a: {  	s11 =	sshll.u32 s11, $0x4;
	[sflag:s8] =	ssyncset.done $0x0  }
0x1b: {  	s11 =	sadd.s32 s19, s11;
	[sflag:s8] =	ssyncadd.s32 $0xFFFE0C00  }
0x1c: {  	[hbm4b:s11+s3] =	stream.linear.scatter [tilespmem:s7], [sflag:$0x2], $0x1F400, $0x38;
	[tilespmem:$0x1F800] =	vst v63  }
0x1d: {  	s13 =	sadd.s32 $0x7D0, s18;
	_ =	swait.ge [sflag:s4], $0x1F400  }
0x1e: {  	s12 =	sshrl.u32 s13, $0x3;
	[sflag:s4] =	ssyncset.done $0x0  }
0x1f: {  	s12 =	sadd.s32 s16, s12;
	[sflag:s4] =	ssyncadd.s32 $0xFFFE0C00  }
0x20: {  	[tilespmem:s3], [sflag:$0x2] =	stream.linear.gather [hbm4b:s12+s3], $0x3E8, $0x38;
	[tilespmem:$0x1F800] =	vst v63  }
0x21: {  	_ =	swait.ge [sflag:s4], $0x3E8  }
0x22: {  	[sflag:s4] =	ssyncset.done $0x0  }
0x23: {  	[sflag:s4] =	ssyncadd.s32 $0xFFFFFC18  }
0x24: {  	[tilespmem:s7], [sflag:$0x1] =	stream.indirect.gather [hbm4b:s2+s6], $0x80, s3, s6, $0xb8;
	[tilespmem:$0x1F800] =	vst v63  }
0x25: {  	_ =	swait.ge [sflag:s8], $0x1F400  }
0x26: {  	s13 =	sshll.u32 s13, $0x4;
	[sflag:s8] =	ssyncset.done $0x0  }
0x27: {  	s13 =	sadd.s32 s19, s13;
	[sflag:s8] =	ssyncadd.s32 $0xFFFE0C00  }
0x28: {  	[hbm4b:s13+s3] =	stream.linear.scatter [tilespmem:s7], [sflag:$0x2], $0x1F400, $0x38;
	[tilespmem:$0x1F800] =	vst v63  }
0x29: {  	s15 =	sadd.s32 $0xBB8, s18;
	_ =	swait.ge [sflag:s4], $0x1F400  }
0x2a: {  	s14 =	sshrl.u32 s15, $0x3;
	[sflag:s4] =	ssyncset.done $0x0  }
0x2b: {  	s14 =	sadd.s32 s16, s14;
	[sflag:s4] =	ssyncadd.s32 $0xFFFE0C00  }
0x2c: {  	[tilespmem:s3], [sflag:$0x2] =	stream.linear.gather [hbm4b:s14+s3], $0x3E8, $0x38;
	[tilespmem:$0x1F800] =	vst v63  }
0x2d: {  	_ =	swait.ge [sflag:s4], $0x3E8  }
0x2e: {  	[sflag:s4] =	ssyncset.done $0x0  }
0x2f: {  	[sflag:s4] =	ssyncadd.s32 $0xFFFFFC18  }
0x30: {  	[tilespmem:s7], [sflag:$0x1] =	stream.indirect.gather [hbm4b:s2+s6], $0x80, s3, s6, $0xb8;
	[tilespmem:$0x1F800] =	vst v63  }
0x31: {  	_ =	swait.ge [sflag:s8], $0x1F400  }
0x32: {  	s15 =	sshll.u32 s15, $0x4;
	[sflag:s8] =	ssyncset.done $0x0  }
0x33: {  	s15 =	sadd.s32 s19, s15;
	[sflag:s8] =	ssyncadd.s32 $0xFFFE0C00  }
0x34: {  	[hbm4b:s15+s3] =	stream.linear.scatter [tilespmem:s7], [sflag:$0x2], $0x1F400, $0x38;
	[tilespmem:$0x1F800] =	vst v63  }
0x35: {  	s18 =	sadd.s32 $0xFA0, s18;
	_ =	swait.ge [sflag:s4], $0x1F400  }
0x36: {  	s20 =	sshrl.u32 s18, $0x3;
	[sflag:s4] =	ssyncset.done $0x0  }
0x37: {  	s17 =	ssub.s32 $0x2, s17;
	s16 =	sadd.s32 s16, s20;
	[sflag:s4] =	ssyncadd.s32 $0xFFFE0C00  }
0x38: {  	[tilespmem:s3], [sflag:$0x2] =	stream.linear.gather [hbm4b:s16+s3], $0x3E8, $0x38;
	[tilespmem:$0x1F800] =	vst v63  }
0x39: {  	s29 =	sshrl.u32 s17, $0x1;
	_ =	swait.ge [sflag:s4], $0x3E8  }
0x3a: {  	s20 =	ssub.s32 s17, s29;
	[sflag:s4] =	ssyncset.done $0x0  }
0x3b: {  	s31 =	smax.u32 s20, $0x1;
	[sflag:s4] =	ssyncadd.s32 $0xFFFFFC18  }
0x3c: {  	[tilespmem:s7], [sflag:$0x1] =	stream.indirect.gather [hbm4b:s2+s6], $0x80, s3, s6, $0xb8;
	[tilespmem:$0x1F800] =	vst v63  }
0x3d: {  	p0 =	sne.s32 s31, $0x1;
	_ =	swait.ge [sflag:s8], $0x1F400  }
.Ltmp0:
0x3e: {  	s30 =	sshll.u32 s18, $0x4;
	[sflag:s8] =	ssyncset.done $0x0;
	(pc) =	sbr.rel @!p0 .LBB2_2-.Ltmp0, $4  }
0x3f: {  	s17 =	sadd.s32 s19, s30;
	[sflag:s8] =	ssyncadd.s32 $0xFFFE0C00  }
0x40: {  	[hbm4b:s17+s3] =	stream.linear.scatter [tilespmem:s7], [sflag:$0x2], $0x1F400, $0x38;
	[tilespmem:$0x1F800] =	vst v63  }
0x41: {  	_ =	swait.ge [sflag:s4], $0x1F400  }
0x42: {  	s18 =	sadd.s32 $0xFFFFFFFF, s31;
	[sflag:s4] =	ssyncset.done $0x0  }
.LBB2_1:
0x43: {  	p0 =	sne.s32 s18, $0x1;
	s18 =	sadd.s32 $0xFFFFFFFF, s18;
	[sflag:s4] =	ssyncadd.s32 $0xFFFE0C00  }
0x44: {  	[tilespmem:s3], [sflag:$0x2] =	stream.linear.gather [hbm4b:s5+s3], $0x3E8, $0x38;
	[tilespmem:$0x1F800] =	vst v63  }
0x45: {  	_ =	swait.ge [sflag:s4], $0x3E8  }
0x46: {  	[sflag:s4] =	ssyncset.done $0x0  }
0x47: {  	[sflag:s4] =	ssyncadd.s32 $0xFFFFFC18  }
0x48: {  	[tilespmem:s7], [sflag:$0x1] =	stream.indirect.gather [hbm4b:s2+s6], $0x80, s3, s6, $0xb8;
	[tilespmem:$0x1F800] =	vst v63  }
0x49: {  	_ =	swait.ge [sflag:s8], $0x1F400  }
0x4a: {  	[sflag:s8] =	ssyncset.done $0x0  }
0x4b: {  	[sflag:s8] =	ssyncadd.s32 $0xFFFE0C00  }
0x4c: {  	[hbm4b:s9+s3] =	stream.linear.scatter [tilespmem:s7], [sflag:$0x2], $0x1F400, $0x38;
	[tilespmem:$0x1F800] =	vst v63  }
0x4d: {  	_ =	swait.ge [sflag:s4], $0x1F400  }
0x4e: {  	[sflag:s4] =	ssyncset.done $0x0  }
0x4f: {  	[sflag:s4] =	ssyncadd.s32 $0xFFFE0C00  }
0x50: {  	[tilespmem:s3], [sflag:$0x2] =	stream.linear.gather [hbm4b:s10+s3], $0x3E8, $0x38;
	[tilespmem:$0x1F800] =	vst v63  }
0x51: {  	_ =	swait.ge [sflag:s4], $0x3E8  }
0x52: {  	[sflag:s4] =	ssyncset.done $0x0  }
0x53: {  	[sflag:s4] =	ssyncadd.s32 $0xFFFFFC18  }
0x54: {  	[tilespmem:s7], [sflag:$0x1] =	stream.indirect.gather [hbm4b:s2+s6], $0x80, s3, s6, $0xb8;
	[tilespmem:$0x1F800] =	vst v63  }
0x55: {  	_ =	swait.ge [sflag:s8], $0x1F400  }
0x56: {  	[sflag:s8] =	ssyncset.done $0x0  }
0x57: {  	[sflag:s8] =	ssyncadd.s32 $0xFFFE0C00  }
0x58: {  	[hbm4b:s11+s3] =	stream.linear.scatter [tilespmem:s7], [sflag:$0x2], $0x1F400, $0x38;
	[tilespmem:$0x1F800] =	vst v63  }
0x59: {  	_ =	swait.ge [sflag:s4], $0x1F400  }
0x5a: {  	[sflag:s4] =	ssyncset.done $0x0  }
0x5b: {  	[sflag:s4] =	ssyncadd.s32 $0xFFFE0C00  }
0x5c: {  	[tilespmem:s3], [sflag:$0x2] =	stream.linear.gather [hbm4b:s12+s3], $0x3E8, $0x38;
	[tilespmem:$0x1F800] =	vst v63  }
0x5d: {  	_ =	swait.ge [sflag:s4], $0x3E8  }
0x5e: {  	[sflag:s4] =	ssyncset.done $0x0  }
0x5f: {  	[sflag:s4] =	ssyncadd.s32 $0xFFFFFC18  }
0x60: {  	[tilespmem:s7], [sflag:$0x1] =	stream.indirect.gather [hbm4b:s2+s6], $0x80, s3, s6, $0xb8;
	[tilespmem:$0x1F800] =	vst v63  }
0x61: {  	_ =	swait.ge [sflag:s8], $0x1F400  }
0x62: {  	[sflag:s8] =	ssyncset.done $0x0  }
0x63: {  	[sflag:s8] =	ssyncadd.s32 $0xFFFE0C00  }
0x64: {  	[hbm4b:s13+s3] =	stream.linear.scatter [tilespmem:s7], [sflag:$0x2], $0x1F400, $0x38;
	[tilespmem:$0x1F800] =	vst v63  }
0x65: {  	_ =	swait.ge [sflag:s4], $0x1F400  }
0x66: {  	[sflag:s4] =	ssyncset.done $0x0  }
0x67: {  	[sflag:s4] =	ssyncadd.s32 $0xFFFE0C00  }
0x68: {  	[tilespmem:s3], [sflag:$0x2] =	stream.linear.gather [hbm4b:s14+s3], $0x3E8, $0x38;
	[tilespmem:$0x1F800] =	vst v63  }
0x69: {  	_ =	swait.ge [sflag:s4], $0x3E8  }
0x6a: {  	[sflag:s4] =	ssyncset.done $0x0  }
0x6b: {  	[sflag:s4] =	ssyncadd.s32 $0xFFFFFC18  }
0x6c: {  	[tilespmem:s7], [sflag:$0x1] =	stream.indirect.gather [hbm4b:s2+s6], $0x80, s3, s6, $0xb8;
	[tilespmem:$0x1F800] =	vst v63  }
0x6d: {  	_ =	swait.ge [sflag:s8], $0x1F400  }
0x6e: {  	[sflag:s8] =	ssyncset.done $0x0  }
0x6f: {  	[sflag:s8] =	ssyncadd.s32 $0xFFFE0C00  }
0x70: {  	[hbm4b:s15+s3] =	stream.linear.scatter [tilespmem:s7], [sflag:$0x2], $0x1F400, $0x38;
	[tilespmem:$0x1F800] =	vst v63  }
0x71: {  	_ =	swait.ge [sflag:s4], $0x1F400  }
0x72: {  	[sflag:s4] =	ssyncset.done $0x0  }
0x73: {  	[sflag:s4] =	ssyncadd.s32 $0xFFFE0C00  }
0x74: {  	[tilespmem:s3], [sflag:$0x2] =	stream.linear.gather [hbm4b:s16+s3], $0x3E8, $0x38;
	[tilespmem:$0x1F800] =	vst v63  }
0x75: {  	_ =	swait.ge [sflag:s4], $0x3E8  }
0x76: {  	[sflag:s4] =	ssyncset.done $0x0  }
0x77: {  	[sflag:s4] =	ssyncadd.s32 $0xFFFFFC18  }
0x78: {  	[tilespmem:s7], [sflag:$0x1] =	stream.indirect.gather [hbm4b:s2+s6], $0x80, s3, s6, $0xb8;
	[tilespmem:$0x1F800] =	vst v63  }
0x79: {  	_ =	swait.ge [sflag:s8], $0x1F400  }
.Ltmp1:
0x7a: {  	[sflag:s8] =	ssyncset.done $0x0;
	(pc) =	sbr.rel @p0 .LBB2_1-.Ltmp1, $4  }
0x7b: {  	[sflag:s8] =	ssyncadd.s32 $0xFFFE0C00  }
0x7c: {  	[hbm4b:s17+s3] =	stream.linear.scatter [tilespmem:s7], [sflag:$0x2], $0x1F400, $0x38;
	[tilespmem:$0x1F800] =	vst v63  }
0x7d: {  	_ =	swait.ge [sflag:s4], $0x1F400  }
0x7e: {  	[sflag:s4] =	ssyncset.done $0x0  }
.LBB2_2:
0x7f: {  	[sflag:s4] =	ssyncadd.s32 $0xFFFE0C00  }
0x80: {  	_ =	sfence.sel $0x180000  }
0x81: {  	[bflag:$0x0] =	sbarrier.arrive $0xFFFF  }
0x82: {  	p0 =	sne.s32 s0, $0x0;
	_ =	strace $0x90000047  }
0x83: {  	s0 =	sadd.s32 @!p0 $0x100000, s1;
	[bflag:$0x2] =	sbarrier.arrive $0xFFFF  }
0x84: {  	[sflag:s0] =	ssyncadd.tile.s32 @!p0 $0x1;
	_ =	shalt  }
.Lfunc_end2:
_tile_overlayer_lowered:
.L_overlay_start_2:
0x85: {  	(tag) =	ssettag $0x2  }
0x86: {  	s0 =	rddreg [dreg:$0x0];
	s2 =	stileid.u32  }
0x87: {  	s1 =	rddreg [dreg:$0x1];
	p0 =	sne.s32 s2, $0x0  }
0x88: {  	s3 =	rddreg [dreg:$0x2];
	[bflag:$0x3] =	sbarrier.arrive $0xFFFF;
	s2 =	simm.s32 @!p0 $0x1C02  }
0x89: {  	[timem:s3], [sflag:s2] =	dma.local @!p0 [hbm:s0], s1  }
0x8a: {  	s0 =	simm.s32 @!p0 $0x2  }
0x8b: {  	_ =	swait.ge @!p0 [sflag:s0], s1  }
0x8c: {  	s1 =	ssub.s32 @!p0 $0x0, s1;
	[sflag:s0] =	ssyncset.done @!p0 $0x0  }
0x8d: {  	[sflag:s0] =	ssyncadd.s32 @!p0 s1  }
0x8e: {  	[bflag:$0x3] =	sbarrier.arrive $0xFFFF  }
0x8f: {  	_ =	shalt  }

</sc_bundles>
